<compile_context>
chip_gen: v7x
topology: tpu7x:2x2x1
jax: 0.10.2.dev20260603
libtpu: 0.0.44.dev20260713+nightly
codegen_flags: <defaults>
</compile_context>

<pallas_src>
import functools

import jax
import jax.numpy as jnp
from jax import lax
from jax.experimental import pallas as pl
from jax.experimental.pallas import tpu as pltpu
from jax.experimental.pallas import tpu_sc as plsc

N = 10000
E = 160000
D = 256
HALF = 128

NC = 2
NS = 16
CH = 128

EPS = E // NS
EP = ((EPS + 2 * CH - 1) // (2 * CH)) * (2 * CH)
NCHUNK = EP // CH
NP2 = 10240
NRI = NP2 // NS

BR = 1024
NBLK = NP2 // BR


def _make_sc_agg(with_deg=False):
    mesh = plsc.VectorSubcoreMesh(core_axis_name="c", subcore_axis_name="s")
    agg_t = jax.ShapeDtypeStruct((2 * NP2, HALF), jnp.float32)
    PH = NCHUNK // 2
    scratch = [
        pltpu.VMEM((NCHUNK, CH), jnp.int32),
        pltpu.VMEM((PH, CH), jnp.int32),
        pltpu.VMEM((2, CH, HALF), jnp.float32),
        pltpu.VMEM_SHARED((NP2, HALF), jnp.float32),
        pltpu.SemaphoreType.DMA,
    ]

    out_type = [agg_t, agg_t] if with_deg else agg_t

    @functools.partial(pl.kernel, mesh=mesh, out_type=out_type,
                       scratch_types=scratch)
    def k(tables, srcp3, dstp3, zrows, ones_h, *refs):
        if with_deg:
            agg_out, deg_out, sidx, didx, rows, acc_sh, sem = refs
        else:
            agg_out, sidx, didx, rows, acc_sh, sem = refs
            deg_out = None
        c = lax.axis_index("c")
        s = lax.axis_index("s")
        r0i = s * NRI
        pltpu.sync_copy(zrows.at[pl.ds(r0i, NRI)],
                        acc_sh.at[pl.ds(r0i, NRI)])
        pltpu.sync_copy(srcp3.at[s], sidx)

        def torows(i, carry):
            for j in range(CH // 16):
                v = sidx[i, pl.ds(16 * j, 16)]
                sidx[i, pl.ds(16 * j, 16)] = v + v + c
            return carry

        lax.fori_loop(0, NCHUNK, torows, 0)

        if with_deg:
            pltpu.sync_copy(ones_h, rows.at[0])
            ndeg = NCHUNK // 2
            pltpu.sync_copy(dstp3.at[s, pl.ds(c * ndeg, ndeg)], didx)
            plsc.subcore_barrier()

            def dchunk(i, carry):
                pltpu.sync_copy(rows.at[0], acc_sh.at[didx.at[i]], add=True)
                return carry

            lax.fori_loop(0, ndeg, dchunk, 0)
            plsc.subcore_barrier()
            r0d = s * NRI
            pltpu.sync_copy(acc_sh.at[pl.ds(r0d, NRI)],
                            deg_out.at[pl.ds(c * NP2 + r0d, NRI)])
            pltpu.sync_copy(zrows.at[pl.ds(r0d, NRI)],
                            acc_sh.at[pl.ds(r0d, NRI)])
        plsc.subcore_barrier()

        pltpu.async_copy(tables.at[sidx.at[0]], rows.at[0], sem)
        pltpu.async_copy(tables.at[sidx.at[1]], rows.at[1], sem)

        for phase in range(2):
            pltpu.sync_copy(dstp3.at[s, pl.ds(phase * PH, PH)], didx)

            def chunk2(t, carry):
                for b in range(2):
                    li = 2 * t + b
                    g = phase * PH + li

                    pltpu.make_async_copy(
                        tables.at[sidx.at[0]], rows.at[b], sem).wait()
                    pltpu.sync_copy(rows.at[b], acc_sh.at[didx.at[li]],
                                    add=True)

                    @pl.when(g + 2 < NCHUNK)
                    def _():
                        pltpu.async_copy(
                            tables.at[sidx.at[g + 2]], rows.at[b], sem)
                return carry

            lax.fori_loop(0, PH // 2, chunk2, 0)
        plsc.subcore_barrier()
        r0 = s * NRI
        pltpu.sync_copy(acc_sh.at[pl.ds(r0, NRI)],
                        agg_out.at[pl.ds(c * NP2 + r0, NRI)])

    return k


_sc_agg = _make_sc_agg()
_sc_agg_deg = _make_sc_agg(with_deg=True)


def _tc_self_body(x_ref, ws_ref, b_ref, out_ref):
    out_ref[...] = jnp.dot(x_ref[...], ws_ref[...],
                           preferred_element_type=jnp.float32) + b_ref[...]


def _tc_self(xp, ws, b2d):
    return pl.pallas_call(
        _tc_self_body,
        grid=(NBLK,),
        in_specs=[
            pl.BlockSpec((BR, D), lambda i: (i, 0)),
            pl.BlockSpec((D, D), lambda i: (0, 0)),
            pl.BlockSpec((1, D), lambda i: (0, 0)),
        ],
        out_specs=pl.BlockSpec((BR, D), lambda i: (i, 0)),
        out_shape=jax.ShapeDtypeStruct((NP2, D), jnp.float32),
    )(xp, ws, b2d)


def _tc_neigh_body(relu, t_ref, a0_ref, a1_ref, d0_ref, d1_ref, wn_ref,
                   out_ref):
    r = 1.0 / jnp.maximum(d0_ref[:, 0:1] + d1_ref[:, 0:1], 1.0)
    h = t_ref[...]
    h = h + jnp.dot(a0_ref[...] * r, wn_ref[0:HALF, :],
                    preferred_element_type=jnp.float32)
    h = h + jnp.dot(a1_ref[...] * r, wn_ref[HALF:D, :],
                    preferred_element_type=jnp.float32)
    if relu:
        h = jnp.maximum(h, 0.0)
    out_ref[...] = h


def _tc_neigh(t, agg, degs, wn, relu):
    off = NP2 // BR
    in_specs = [
        pl.BlockSpec((BR, D), lambda i: (i, 0)),
        pl.BlockSpec((BR, HALF), lambda i: (i, 0)),
        pl.BlockSpec((BR, HALF), lambda i: (i + off, 0)),
        pl.BlockSpec((BR, HALF), lambda i: (i, 0)),
        pl.BlockSpec((BR, HALF), lambda i: (i + off, 0)),
        pl.BlockSpec((D, D), lambda i: (0, 0)),
    ]
    return pl.pallas_call(
        functools.partial(_tc_neigh_body, relu),
        grid=(NBLK,),
        in_specs=in_specs,
        out_specs=pl.BlockSpec((BR, D), lambda i: (i, 0)),
        out_shape=jax.ShapeDtypeStruct((NP2, D), jnp.float32),
    )(t, agg, agg, degs, degs, wn)


def kernel(nodes_features, edge_index, W_self1, W_neigh1, b1,
           W_self2, W_neigh2, b2):
    x = nodes_features
    src = edge_index[0].astype(jnp.int32)
    dst = edge_index[1].astype(jnp.int32)

    pad = EP - EPS
    src_p = jnp.pad(src.reshape(NS, EPS), ((0, 0), (0, pad)))
    pad_dst = jnp.broadcast_to(
        N + (jnp.arange(pad, dtype=jnp.int32) % 16), (NS, pad))
    dst_p = jnp.concatenate([dst.reshape(NS, EPS), pad_dst], axis=1)
    dstp = dst_p.reshape(NS, NCHUNK, CH)
    srcp2 = src_p.reshape(NS, NCHUNK, CH)

    zrows = jnp.zeros((NP2, HALF), jnp.float32)
    ones_h = jnp.ones((CH, HALF), jnp.float32)
    b1_2d = b1.reshape(1, D)
    b2_2d = b2.reshape(1, D)

    xp = jnp.pad(x, ((0, NP2 - N), (0, 0)))
    tables1 = xp.reshape(2 * NP2, HALF)
    agg1, degs = _sc_agg_deg(tables1, srcp2, dstp, zrows, ones_h)
    t1 = _tc_self(xp, W_self1, b1_2d)
    h = _tc_neigh(t1, agg1, degs, W_neigh1, relu=True)

    tables2 = h.reshape(2 * NP2, HALF)
    agg2 = _sc_agg(tables2, srcp2, dstp, zrows, ones_h)
    t2 = _tc_self(h, W_self2, b2_2d)
    out = _tc_neigh(t2, agg2, degs, W_neigh2, relu=False)
    return lax.slice(out, (0, 0), (N, D))

# --- scband reference (transcript-rebuilt; emitter-appended) ---
"""Pipeline reference for scband-my-feature-extract-model-6734508720424 (READ-ONLY COPY).

The authoritative reference and input builder live on the scoring server;
editing this copy changes nothing except your own understanding.
"""

import jax, jax.numpy as jnp
import numpy as np

N = 10000
E = 160000
D_IN = 256
D_H = 256


def _sage_conv(x, src, dst, W_self, W_neigh, b, num_nodes):
    # DGL SAGEConv with 'mean' aggregator:
    # h_neigh = mean over in-neighbors of x[src]; out = x @ W_self + h_neigh @ W_neigh + b
    msg = x[src]
    agg = jax.ops.segment_sum(msg, dst, num_segments=num_nodes)
    deg = jax.ops.segment_sum(jnp.ones((src.shape[0],), dtype=x.dtype), dst, num_segments=num_nodes)
    deg = jnp.maximum(deg, 1.0)
    h_neigh = agg / deg[:, None]
    return x @ W_self + h_neigh @ W_neigh + b


def setup_inputs(seed: int = 0) -> dict:
    key = jax.random.key(seed)
    k1, k2, k3, k4, k5, k6, k7, k8 = jax.random.split(key, 8)
    x = jax.random.normal(k1, (N, D_IN), dtype=jnp.float32)
    edge_index = jax.random.randint(k2, (2, E), 0, N, dtype=jnp.int64)
    s1 = 1.0 / np.sqrt(D_IN)
    s2 = 1.0 / np.sqrt(D_H)
    W_self1 = jax.random.uniform(k3, (D_IN, D_H), jnp.float32, -s1, s1)
    W_neigh1 = jax.random.uniform(k4, (D_IN, D_H), jnp.float32, -s1, s1)
    b1 = jnp.zeros((D_H,), dtype=jnp.float32)
    W_self2 = jax.random.uniform(k5, (D_H, D_H), jnp.float32, -s2, s2)
    W_neigh2 = jax.random.uniform(k6, (D_H, D_H), jnp.float32, -s2, s2)
    b2 = jnp.zeros((D_H,), dtype=jnp.float32)
    return {
        "nodes_features": x,
        "edge_index": edge_index,
        "W_self1": W_self1,
        "W_neigh1": W_neigh1,
        "b1": b1,
        "W_self2": W_self2,
        "W_neigh2": W_neigh2,
        "b2": b2,
    }


def reference(nodes_features, edge_index, W_self1, W_neigh1, b1, W_self2, W_neigh2, b2):
    src = edge_index[0]
    dst = edge_index[1]
    # MyFeatureExtractModel with h_feats_list=[256], concat=False:
    # one GraphSAGE block = SAGEConv -> relu -> SAGEConv
    h = _sage_conv(nodes_features, src, dst, W_self1, W_neigh1, b1, N)
    h = jax.nn.relu(h)
    h = _sage_conv(h, src, dst, W_self2, W_neigh2, b2, N)
    return h

if __name__ == "__main__":
    import jax
    _d = setup_inputs()
    print(jax.jit(kernel)(*tuple(_d.values())))

</pallas_src>

<mosaic_0001>
#map = affine_map<(d0, d1) -> (0, 0)>
#map1 = affine_map<(d0, d1) -> (0, 0, 0)>
module attributes {stable_mosaic.version = 14 : i64} {
  func.func @k(%arg0: i32, %arg1: i32, %arg2: memref<20480x128xf32, #tpu.memory_space<hbm>>, %arg3: memref<16x80x128xi32, #tpu.memory_space<hbm>>, %arg4: memref<16x80x128xi32, #tpu.memory_space<hbm>>, %arg5: memref<10240x128xf32, #tpu.memory_space<hbm>>, %arg6: memref<128x128xf32, #tpu.memory_space<hbm>>, %arg7: memref<20480x128xf32, #tpu.memory_space<hbm>>, %arg8: memref<80x128xi32, #tpu.memory_space<vmem>>, %arg9: memref<40x128xi32, #tpu.memory_space<vmem>>, %arg10: memref<2x128x128xf32, #tpu.memory_space<vmem>>, %arg11: memref<10240x128xf32, #tpu.memory_space<vmem_shared>>, %arg12: memref<!tpu.dma_semaphore, #tpu.memory_space<semaphore_mem>>) attributes {dimension_semantics = [#tpu.dimension_semantics<core_parallel>, #tpu.dimension_semantics<subcore_parallel>], iteration_bounds = array<i64: 2, 16>, scalar_prefetch = 0 : i64, scratch_operands = 5 : i64, tpu.core_type = #tpu.core_type<sc_vector_subcore>, window_params = [{transform_indices = #map}, {transform_indices = #map1}, {transform_indices = #map1}, {transform_indices = #map}, {transform_indices = #map}, {transform_indices = #map}]} {
    %mul3A = arith.constant 640 : i32
    %mul3A_0 = arith.muli %arg1, %mul3A : i32
    "tpu.region"() ({
      %run_scoped3A = tpu.sem_alloc : memref<!tpu.dma_semaphore, #tpu.memory_space<semaphore_mem>>
      %dma_start3A_46 = arith.constant 0 : i32
      %dma_start3A_47 = tpu.memref_slice %arg11[%mul3A_0, %dma_start3A_46] : memref<10240x128xf32, #tpu.memory_space<vmem_shared>> -> memref<640x128xf32, #tpu.memory_space<vmem_shared>>
      %dma_start3A_48 = arith.constant 0 : i32
      %dma_start3A_49 = tpu.memref_slice %arg5[%mul3A_0, %dma_start3A_48] : memref<10240x128xf32, #tpu.memory_space<hbm>> -> memref<640x128xf32, #tpu.memory_space<hbm>>
      tpu.enqueue_dma source(%dma_start3A_49 : memref<640x128xf32, #tpu.memory_space<hbm>>) target(%dma_start3A_47 : memref<640x128xf32, #tpu.memory_space<vmem_shared>>) target_semaphore(%run_scoped3A : memref<!tpu.dma_semaphore, #tpu.memory_space<semaphore_mem>>)
      %dma_wait3A = arith.constant 0 : i32
      %dma_wait3A_50 = tpu.memref_slice %arg11[%mul3A_0, %dma_wait3A] : memref<10240x128xf32, #tpu.memory_space<vmem_shared>> -> memref<640x128xf32, #tpu.memory_space<vmem_shared>>
      %dma_wait3A_51 = arith.constant 0 : i32
      %dma_wait3A_52 = tpu.memref_slice %arg5[%mul3A_0, %dma_wait3A_51] : memref<10240x128xf32, #tpu.memory_space<hbm>> -> memref<640x128xf32, #tpu.memory_space<hbm>>
      tpu.wait_dma2 semaphore(%run_scoped3A : memref<!tpu.dma_semaphore, #tpu.memory_space<semaphore_mem>>) src(%dma_wait3A_52 : memref<640x128xf32, #tpu.memory_space<hbm>>) dst(%dma_wait3A_50 : memref<640x128xf32, #tpu.memory_space<vmem_shared>>)
      tpu.yield
    }) : () -> ()
    "tpu.region"() ({
      %run_scoped3A = tpu.sem_alloc : memref<!tpu.dma_semaphore, #tpu.memory_space<semaphore_mem>>
      %dma_start3A_46 = arith.constant 0 : i32
      %dma_start3A_47 = arith.constant 0 : i32
      %dma_start3A_48 = tpu.memref_slice %arg3[%arg1, %dma_start3A_46, %dma_start3A_47] : memref<16x80x128xi32, #tpu.memory_space<hbm>> -> memref<1x80x128xi32, #tpu.memory_space<hbm>>
      %dma_start3A_49 = tpu.memref_squeeze %dma_start3A_48 : memref<1x80x128xi32, #tpu.memory_space<hbm>> -> memref<80x128xi32, #tpu.memory_space<hbm>>
      %dma_start3A_50 = arith.constant 0 : i32
      %dma_start3A_51 = arith.constant 0 : i32
      %dma_start3A_52 = tpu.memref_slice %arg3[%arg1, %dma_start3A_50, %dma_start3A_51] : memref<16x80x128xi32, #tpu.memory_space<hbm>> -> memref<1x80x128xi32, #tpu.memory_space<hbm>>
      %dma_start3A_53 = tpu.memref_squeeze %dma_start3A_52 : memref<1x80x128xi32, #tpu.memory_space<hbm>> -> memref<80x128xi32, #tpu.memory_space<hbm>>
      tpu.enqueue_dma source(%dma_start3A_53 : memref<80x128xi32, #tpu.memory_space<hbm>>) target(%arg8 : memref<80x128xi32, #tpu.memory_space<vmem>>) target_semaphore(%run_scoped3A : memref<!tpu.dma_semaphore, #tpu.memory_space<semaphore_mem>>)
      %dma_wait3A = arith.constant 0 : i32
      %dma_wait3A_54 = arith.constant 0 : i32
      %dma_wait3A_55 = tpu.memref_slice %arg3[%arg1, %dma_wait3A, %dma_wait3A_54] : memref<16x80x128xi32, #tpu.memory_space<hbm>> -> memref<1x80x128xi32, #tpu.memory_space<hbm>>
      %dma_wait3A_56 = tpu.memref_squeeze %dma_wait3A_55 : memref<1x80x128xi32, #tpu.memory_space<hbm>> -> memref<80x128xi32, #tpu.memory_space<hbm>>
      %dma_wait3A_57 = arith.constant 0 : i32
      %dma_wait3A_58 = arith.constant 0 : i32
      %dma_wait3A_59 = tpu.memref_slice %arg3[%arg1, %dma_wait3A_57, %dma_wait3A_58] : memref<16x80x128xi32, #tpu.memory_space<hbm>> -> memref<1x80x128xi32, #tpu.memory_space<hbm>>
      %dma_wait3A_60 = tpu.memref_squeeze %dma_wait3A_59 : memref<1x80x128xi32, #tpu.memory_space<hbm>> -> memref<80x128xi32, #tpu.memory_space<hbm>>
      tpu.wait_dma2 semaphore(%run_scoped3A : memref<!tpu.dma_semaphore, #tpu.memory_space<semaphore_mem>>) src(%dma_wait3A_60 : memref<80x128xi32, #tpu.memory_space<hbm>>) dst(%arg8 : memref<80x128xi32, #tpu.memory_space<vmem>>)
      tpu.yield
    }) : () -> ()
    %scan3A = arith.constant 0 : i32
    %scan3A_1 = arith.constant 0 : i32
    %scan3A_2 = arith.constant 80 : i32
    %scan3A_3 = arith.addi %scan3A_1, %scan3A_2 : i32
    %scan3A_4 = arith.constant 1 : i32
    scf.for %scan3A_46 = %scan3A_1 to %scan3A_3 step %scan3A_4  : i32 {
      %get3A = arith.index_cast %scan3A_46 : i32 to index
      %get3A_47 = arith.constant 0 : index
      %get3A_48 = tpu.vector_load %arg8[%get3A, %get3A_47] {strides = array<i32>} : memref<80x128xi32, #tpu.memory_space<vmem>>, vector<1x16xi32>,
      %get3A_49 = vector.shape_cast %get3A_48 : vector<1x16xi32> to vector<16xi32>
      %add3A_50 = arith.addi %get3A_49, %get3A_49 : vector<16xi32>
      %add3A_51 = vector.broadcast %arg0 : i32 to vector<16xi32>
      %add3A_52 = arith.addi %add3A_50, %add3A_51 : vector<16xi32>
      %swap3A = arith.index_cast %scan3A_46 : i32 to index
      %swap3A_53 = arith.constant 0 : index
      %swap3A_54 = tpu.vector_load %arg8[%swap3A, %swap3A_53] {strides = array<i32>} : memref<80x128xi32, #tpu.memory_space<vmem>>, vector<1x16xi32>,
      %swap3A_55 = vector.shape_cast %swap3A_54 : vector<1x16xi32> to vector<16xi32>
      %swap3A_56 = vector.shape_cast %add3A_52 : vector<16xi32> to vector<1x16xi32>
      tpu.vector_store %arg8[%swap3A, %swap3A_53], %swap3A_56 {strides = array<i32>} : memref<80x128xi32, #tpu.memory_space<vmem>>, vector<1x16xi32>,
      %get3A_57 = arith.index_cast %scan3A_46 : i32 to index
      %get3A_58 = arith.constant 16 : index
      %get3A_59 = tpu.vector_load %arg8[%get3A_57, %get3A_58] {strides = array<i32>} : memref<80x128xi32, #tpu.memory_space<vmem>>, vector<1x16xi32>,
      %get3A_60 = vector.shape_cast %get3A_59 : vector<1x16xi32> to vector<16xi32>
      %add3A_61 = arith.addi %get3A_60, %get3A_60 : vector<16xi32>
      %add3A_62 = vector.broadcast %arg0 : i32 to vector<16xi32>
      %add3A_63 = arith.addi %add3A_61, %add3A_62 : vector<16xi32>
      %swap3A_64 = arith.index_cast %scan3A_46 : i32 to index
      %swap3A_65 = arith.constant 16 : index
      %swap3A_66 = tpu.vector_load %arg8[%swap3A_64, %swap3A_65] {strides = array<i32>} : memref<80x128xi32, #tpu.memory_space<vmem>>, vector<1x16xi32>,
      %swap3A_67 = vector.shape_cast %swap3A_66 : vector<1x16xi32> to vector<16xi32>
      %swap3A_68 = vector.shape_cast %add3A_63 : vector<16xi32> to vector<1x16xi32>
      tpu.vector_store %arg8[%swap3A_64, %swap3A_65], %swap3A_68 {strides = array<i32>} : memref<80x128xi32, #tpu.memory_space<vmem>>, vector<1x16xi32>,
      %get3A_69 = arith.index_cast %scan3A_46 : i32 to index
      %get3A_70 = arith.constant 32 : index
      %get3A_71 = tpu.vector_load %arg8[%get3A_69, %get3A_70] {strides = array<i32>} : memref<80x128xi32, #tpu.memory_space<vmem>>, vector<1x16xi32>,
      %get3A_72 = vector.shape_cast %get3A_71 : vector<1x16xi32> to vector<16xi32>
      %add3A_73 = arith.addi %get3A_72, %get3A_72 : vector<16xi32>
      %add3A_74 = vector.broadcast %arg0 : i32 to vector<16xi32>
      %add3A_75 = arith.addi %add3A_73, %add3A_74 : vector<16xi32>
      %swap3A_76 = arith.index_cast %scan3A_46 : i32 to index
      %swap3A_77 = arith.constant 32 : index
      %swap3A_78 = tpu.vector_load %arg8[%swap3A_76, %swap3A_77] {strides = array<i32>} : memref<80x128xi32, #tpu.memory_space<vmem>>, vector<1x16xi32>,
      %swap3A_79 = vector.shape_cast %swap3A_78 : vector<1x16xi32> to vector<16xi32>
      %swap3A_80 = vector.shape_cast %add3A_75 : vector<16xi32> to vector<1x16xi32>
      tpu.vector_store %arg8[%swap3A_76, %swap3A_77], %swap3A_80 {strides = array<i32>} : memref<80x128xi32, #tpu.memory_space<vmem>>, vector<1x16xi32>,
      %get3A_81 = arith.index_cast %scan3A_46 : i32 to index
      %get3A_82 = arith.constant 48 : index
      %get3A_83 = tpu.vector_load %arg8[%get3A_81, %get3A_82] {strides = array<i32>} : memref<80x128xi32, #tpu.memory_space<vmem>>, vector<1x16xi32>,
      %get3A_84 = vector.shape_cast %get3A_83 : vector<1x16xi32> to vector<16xi32>
      %add3A_85 = arith.addi %get3A_84, %get3A_84 : vector<16xi32>
      %add3A_86 = vector.broadcast %arg0 : i32 to vector<16xi32>
      %add3A_87 = arith.addi %add3A_85, %add3A_86 : vector<16xi32>
      %swap3A_88 = arith.index_cast %scan3A_46 : i32 to index
      %swap3A_89 = arith.constant 48 : index
      %swap3A_90 = tpu.vector_load %arg8[%swap3A_88, %swap3A_89] {strides = array<i32>} : memref<80x128xi32, #tpu.memory_space<vmem>>, vector<1x16xi32>,
      %swap3A_91 = vector.shape_cast %swap3A_90 : vector<1x16xi32> to vector<16xi32>
      %swap3A_92 = vector.shape_cast %add3A_87 : vector<16xi32> to vector<1x16xi32>
      tpu.vector_store %arg8[%swap3A_88, %swap3A_89], %swap3A_92 {strides = array<i32>} : memref<80x128xi32, #tpu.memory_space<vmem>>, vector<1x16xi32>,
      %get3A_93 = arith.index_cast %scan3A_46 : i32 to index
      %get3A_94 = arith.constant 64 : index
      %get3A_95 = tpu.vector_load %arg8[%get3A_93, %get3A_94] {strides = array<i32>} : memref<80x128xi32, #tpu.memory_space<vmem>>, vector<1x16xi32>,
      %get3A_96 = vector.shape_cast %get3A_95 : vector<1x16xi32> to vector<16xi32>
      %add3A_97 = arith.addi %get3A_96, %get3A_96 : vector<16xi32>
      %add3A_98 = vector.broadcast %arg0 : i32 to vector<16xi32>
      %add3A_99 = arith.addi %add3A_97, %add3A_98 : vector<16xi32>
      %swap3A_100 = arith.index_cast %scan3A_46 : i32 to index
      %swap3A_101 = arith.constant 64 : index
      %swap3A_102 = tpu.vector_load %arg8[%swap3A_100, %swap3A_101] {strides = array<i32>} : memref<80x128xi32, #tpu.memory_space<vmem>>, vector<1x16xi32>,
      %swap3A_103 = vector.shape_cast %swap3A_102 : vector<1x16xi32> to vector<16xi32>
      %swap3A_104 = vector.shape_cast %add3A_99 : vector<16xi32> to vector<1x16xi32>
      tpu.vector_store %arg8[%swap3A_100, %swap3A_101], %swap3A_104 {strides = array<i32>} : memref<80x128xi32, #tpu.memory_space<vmem>>, vector<1x16xi32>,
      %get3A_105 = arith.index_cast %scan3A_46 : i32 to index
      %get3A_106 = arith.constant 80 : index
      %get3A_107 = tpu.vector_load %arg8[%get3A_105, %get3A_106] {strides = array<i32>} : memref<80x128xi32, #tpu.memory_space<vmem>>, vector<1x16xi32>,
      %get3A_108 = vector.shape_cast %get3A_107 : vector<1x16xi32> to vector<16xi32>
      %add3A_109 = arith.addi %get3A_108, %get3A_108 : vector<16xi32>
      %add3A_110 = vector.broadcast %arg0 : i32 to vector<16xi32>
      %add3A_111 = arith.addi %add3A_109, %add3A_110 : vector<16xi32>
      %swap3A_112 = arith.index_cast %scan3A_46 : i32 to index
      %swap3A_113 = arith.constant 80 : index
      %swap3A_114 = tpu.vector_load %arg8[%swap3A_112, %swap3A_113] {strides = array<i32>} : memref<80x128xi32, #tpu.memory_space<vmem>>, vector<1x16xi32>,
      %swap3A_115 = vector.shape_cast %swap3A_114 : vector<1x16xi32> to vector<16xi32>
      %swap3A_116 = vector.shape_cast %add3A_111 : vector<16xi32> to vector<1x16xi32>
      tpu.vector_store %arg8[%swap3A_112, %swap3A_113], %swap3A_116 {strides = array<i32>} : memref<80x128xi32, #tpu.memory_space<vmem>>, vector<1x16xi32>,
      %get3A_117 = arith.index_cast %scan3A_46 : i32 to index
      %get3A_118 = arith.constant 96 : index
      %get3A_119 = tpu.vector_load %arg8[%get3A_117, %get3A_118] {strides = array<i32>} : memref<80x128xi32, #tpu.memory_space<vmem>>, vector<1x16xi32>,
      %get3A_120 = vector.shape_cast %get3A_119 : vector<1x16xi32> to vector<16xi32>
      %add3A_121 = arith.addi %get3A_120, %get3A_120 : vector<16xi32>
      %add3A_122 = vector.broadcast %arg0 : i32 to vector<16xi32>
      %add3A_123 = arith.addi %add3A_121, %add3A_122 : vector<16xi32>
      %swap3A_124 = arith.index_cast %scan3A_46 : i32 to index
      %swap3A_125 = arith.constant 96 : index
      %swap3A_126 = tpu.vector_load %arg8[%swap3A_124, %swap3A_125] {strides = array<i32>} : memref<80x128xi32, #tpu.memory_space<vmem>>, vector<1x16xi32>,
      %swap3A_127 = vector.shape_cast %swap3A_126 : vector<1x16xi32> to vector<16xi32>
      %swap3A_128 = vector.shape_cast %add3A_123 : vector<16xi32> to vector<1x16xi32>
      tpu.vector_store %arg8[%swap3A_124, %swap3A_125], %swap3A_128 {strides = array<i32>} : memref<80x128xi32, #tpu.memory_space<vmem>>, vector<1x16xi32>,
      %get3A_129 = arith.index_cast %scan3A_46 : i32 to index
      %get3A_130 = arith.constant 112 : index
      %get3A_131 = tpu.vector_load %arg8[%get3A_129, %get3A_130] {strides = array<i32>} : memref<80x128xi32, #tpu.memory_space<vmem>>, vector<1x16xi32>,
      %get3A_132 = vector.shape_cast %get3A_131 : vector<1x16xi32> to vector<16xi32>
      %add3A_133 = arith.addi %get3A_132, %get3A_132 : vector<16xi32>
      %add3A_134 = vector.broadcast %arg0 : i32 to vector<16xi32>
      %add3A_135 = arith.addi %add3A_133, %add3A_134 : vector<16xi32>
      %swap3A_136 = arith.index_cast %scan3A_46 : i32 to index
      %swap3A_137 = arith.constant 112 : index
      %swap3A_138 = tpu.vector_load %arg8[%swap3A_136, %swap3A_137] {strides = array<i32>} : memref<80x128xi32, #tpu.memory_space<vmem>>, vector<1x16xi32>,
      %swap3A_139 = vector.shape_cast %swap3A_138 : vector<1x16xi32> to vector<16xi32>
      %swap3A_140 = vector.shape_cast %add3A_135 : vector<16xi32> to vector<1x16xi32>
      tpu.vector_store %arg8[%swap3A_136, %swap3A_137], %swap3A_140 {strides = array<i32>} : memref<80x128xi32, #tpu.memory_space<vmem>>, vector<1x16xi32>,
    }
    %scan3A_5 = arith.constant 80 : i32
    %barrier3A = arith.constant 0 : index
    tpu.barrier barrier_id(%barrier3A)
    %dma_start3A = arith.constant 0 : i32
    %dma_start3A_6 = arith.constant 0 : i32
    %dma_start3A_7 = arith.constant 0 : i32
    %dma_start3A_8 = arith.constant 0 : i32
    %dma_start3A_9 = tpu.memref_slice %arg10[%dma_start3A_6, %dma_start3A_7, %dma_start3A_8] : memref<2x128x128xf32, #tpu.memory_space<vmem>> -> memref<1x128x128xf32, #tpu.memory_space<vmem>>
    %dma_start3A_10 = tpu.memref_squeeze %dma_start3A_9 : memref<1x128x128xf32, #tpu.memory_space<vmem>> -> memref<128x128xf32, #tpu.memory_space<vmem>>
    %dma_start3A_11 = arith.constant 0 : i32
    %dma_start3A_12 = tpu.memref_slice %arg8[%dma_start3A, %dma_start3A_11] : memref<80x128xi32, #tpu.memory_space<vmem>> -> memref<1x128xi32, #tpu.memory_space<vmem>>
    %dma_start3A_13 = tpu.memref_squeeze %dma_start3A_12 : memref<1x128xi32, #tpu.memory_space<vmem>> -> memref<128xi32, #tpu.memory_space<vmem>>
    %dma_start3A_14 = arith.constant 0 : i32
    %dma_start3A_15 = arith.constant 0 : i32
    %dma_start3A_16 = tpu.memref_slice %arg2[%dma_start3A_14, %dma_start3A_15] : memref<20480x128xf32, #tpu.memory_space<hbm>> -> memref<20480x128xf32, #tpu.memory_space<hbm>>
    tpu.enqueue_indirect_dma source(%dma_start3A_16 : memref<20480x128xf32, #tpu.memory_space<hbm>>) target(%dma_start3A_10 : memref<128x128xf32, #tpu.memory_space<vmem>>) offsets(%dma_start3A_13 : memref<128xi32, #tpu.memory_space<vmem>>) semaphore(%arg12 : memref<!tpu.dma_semaphore, #tpu.memory_space<semaphore_mem>>)
    %dma_start3A_17 = arith.constant 1 : i32
    %dma_start3A_18 = arith.constant 1 : i32
    %dma_start3A_19 = arith.constant 0 : i32
    %dma_start3A_20 = arith.constant 0 : i32
    %dma_start3A_21 = tpu.memref_slice %arg10[%dma_start3A_18, %dma_start3A_19, %dma_start3A_20] : memref<2x128x128xf32, #tpu.memory_space<vmem>> -> memref<1x128x128xf32, #tpu.memory_space<vmem>>
    %dma_start3A_22 = tpu.memref_squeeze %dma_start3A_21 : memref<1x128x128xf32, #tpu.memory_space<vmem>> -> memref<128x128xf32, #tpu.memory_space<vmem>>
    %dma_start3A_23 = arith.constant 0 : i32
    %dma_start3A_24 = tpu.memref_slice %arg8[%dma_start3A_17, %dma_start3A_23] : memref<80x128xi32, #tpu.memory_space<vmem>> -> memref<1x128xi32, #tpu.memory_space<vmem>>
    %dma_start3A_25 = tpu.memref_squeeze %dma_start3A_24 : memref<1x128xi32, #tpu.memory_space<vmem>> -> memref<128xi32, #tpu.memory_space<vmem>>
    %dma_start3A_26 = arith.constant 0 : i32
    %dma_start3A_27 = arith.constant 0 : i32
    %dma_start3A_28 = tpu.memref_slice %arg2[%dma_start3A_26, %dma_start3A_27] : memref<20480x128xf32, #tpu.memory_space<hbm>> -> memref<20480x128xf32, #tpu.memory_space<hbm>>
    tpu.enqueue_indirect_dma source(%dma_start3A_28 : memref<20480x128xf32, #tpu.memory_space<hbm>>) target(%dma_start3A_22 : memref<128x128xf32, #tpu.memory_space<vmem>>) offsets(%dma_start3A_25 : memref<128xi32, #tpu.memory_space<vmem>>) semaphore(%arg12 : memref<!tpu.dma_semaphore, #tpu.memory_space<semaphore_mem>>)
    "tpu.region"() ({
      %run_scoped3A = tpu.sem_alloc : memref<!tpu.dma_semaphore, #tpu.memory_space<semaphore_mem>>
      %dma_start3A_46 = arith.constant 0 : i32
      %dma_start3A_47 = arith.constant 0 : i32
      %dma_start3A_48 = tpu.memref_slice %arg4[%arg1, %dma_start3A_46, %dma_start3A_47] : memref<16x80x128xi32, #tpu.memory_space<hbm>> -> memref<1x40x128xi32, #tpu.memory_space<hbm>>
      %dma_start3A_49 = tpu.memref_squeeze %dma_start3A_48 : memref<1x40x128xi32, #tpu.memory_space<hbm>> -> memref<40x128xi32, #tpu.memory_space<hbm>>
      %dma_start3A_50 = arith.constant 0 : i32
      %dma_start3A_51 = arith.constant 0 : i32
      %dma_start3A_52 = tpu.memref_slice %arg4[%arg1, %dma_start3A_50, %dma_start3A_51] : memref<16x80x128xi32, #tpu.memory_space<hbm>> -> memref<1x40x128xi32, #tpu.memory_space<hbm>>
      %dma_start3A_53 = tpu.memref_squeeze %dma_start3A_52 : memref<1x40x128xi32, #tpu.memory_space<hbm>> -> memref<40x128xi32, #tpu.memory_space<hbm>>
      tpu.enqueue_dma source(%dma_start3A_53 : memref<40x128xi32, #tpu.memory_space<hbm>>) target(%arg9 : memref<40x128xi32, #tpu.memory_space<vmem>>) target_semaphore(%run_scoped3A : memref<!tpu.dma_semaphore, #tpu.memory_space<semaphore_mem>>)
      %dma_wait3A = arith.constant 0 : i32
      %dma_wait3A_54 = arith.constant 0 : i32
      %dma_wait3A_55 = tpu.memref_slice %arg4[%arg1, %dma_wait3A, %dma_wait3A_54] : memref<16x80x128xi32, #tpu.memory_space<hbm>> -> memref<1x40x128xi32, #tpu.memory_space<hbm>>
      %dma_wait3A_56 = tpu.memref_squeeze %dma_wait3A_55 : memref<1x40x128xi32, #tpu.memory_space<hbm>> -> memref<40x128xi32, #tpu.memory_space<hbm>>
      %dma_wait3A_57 = arith.constant 0 : i32
      %dma_wait3A_58 = arith.constant 0 : i32
      %dma_wait3A_59 = tpu.memref_slice %arg4[%arg1, %dma_wait3A_57, %dma_wait3A_58] : memref<16x80x128xi32, #tpu.memory_space<hbm>> -> memref<1x40x128xi32, #tpu.memory_space<hbm>>
      %dma_wait3A_60 = tpu.memref_squeeze %dma_wait3A_59 : memref<1x40x128xi32, #tpu.memory_space<hbm>> -> memref<40x128xi32, #tpu.memory_space<hbm>>
      tpu.wait_dma2 semaphore(%run_scoped3A : memref<!tpu.dma_semaphore, #tpu.memory_space<semaphore_mem>>) src(%dma_wait3A_60 : memref<40x128xi32, #tpu.memory_space<hbm>>) dst(%arg9 : memref<40x128xi32, #tpu.memory_space<vmem>>)
      tpu.yield
    }) : () -> ()
    %scan3A_29 = arith.constant 0 : i32
    %scan3A_30 = arith.constant 0 : i32
    %scan3A_31 = arith.constant 20 : i32
    %scan3A_32 = arith.addi %scan3A_30, %scan3A_31 : i32
    %scan3A_33 = arith.constant 1 : i32
    scf.for %scan3A_46 = %scan3A_30 to %scan3A_32 step %scan3A_33  : i32 {
      %mul3A_47 = arith.constant 2 : i32
      %mul3A_48 = arith.muli %mul3A_47, %scan3A_46 : i32
      %add3A_49 = arith.constant 0 : i32
      %add3A_50 = arith.addi %mul3A_48, %add3A_49 : i32
      %add3A_51 = arith.constant 0 : i32
      %add3A_52 = arith.addi %add3A_51, %add3A_50 : i32
      %dma_wait3A = arith.constant 0 : i32
      %dma_wait3A_53 = arith.constant 0 : i32
      %dma_wait3A_54 = arith.constant 0 : i32
      %dma_wait3A_55 = arith.constant 0 : i32
      %dma_wait3A_56 = tpu.memref_slice %arg10[%dma_wait3A_53, %dma_wait3A_54, %dma_wait3A_55] : memref<2x128x128xf32, #tpu.memory_space<vmem>> -> memref<1x128x128xf32, #tpu.memory_space<vmem>>
      %dma_wait3A_57 = tpu.memref_squeeze %dma_wait3A_56 : memref<1x128x128xf32, #tpu.memory_space<vmem>> -> memref<128x128xf32, #tpu.memory_space<vmem>>
      %dma_wait3A_58 = arith.constant 0 : i32
      %dma_wait3A_59 = tpu.memref_slice %arg8[%dma_wait3A, %dma_wait3A_58] : memref<80x128xi32, #tpu.memory_space<vmem>> -> memref<1x128xi32, #tpu.memory_space<vmem>>
      %dma_wait3A_60 = tpu.memref_squeeze %dma_wait3A_59 : memref<1x128xi32, #tpu.memory_space<vmem>> -> memref<128xi32, #tpu.memory_space<vmem>>
      %dma_wait3A_61 = arith.constant 0 : i32
      %dma_wait3A_62 = arith.constant 0 : i32
      %dma_wait3A_63 = tpu.memref_slice %arg2[%dma_wait3A_61, %dma_wait3A_62] : memref<20480x128xf32, #tpu.memory_space<hbm>> -> memref<20480x128xf32, #tpu.memory_space<hbm>>
      tpu.wait_indirect_dma semaphore(%arg12 : memref<!tpu.dma_semaphore, #tpu.memory_space<semaphore_mem>>) src(%dma_wait3A_63 : memref<20480x128xf32, #tpu.memory_space<hbm>>) dst(%dma_wait3A_57 : memref<128x128xf32, #tpu.memory_space<vmem>>)
      %run_scoped3A = arith.constant 0 : i32
      "tpu.region"() ({
        %run_scoped3A_94 = tpu.sem_alloc : memref<!tpu.dma_semaphore, #tpu.memory_space<semaphore_mem>>
        %dma_start3A_95 = arith.constant 0 : i32
        %dma_start3A_96 = arith.constant 0 : i32
        %dma_start3A_97 = tpu.memref_slice %arg10[%run_scoped3A, %dma_start3A_95, %dma_start3A_96] : memref<2x128x128xf32, #tpu.memory_space<vmem>> -> memref<1x128x128xf32, #tpu.memory_space<vmem>>
        %dma_start3A_98 = tpu.memref_squeeze %dma_start3A_97 : memref<1x128x128xf32, #tpu.memory_space<vmem>> -> memref<128x128xf32, #tpu.memory_space<vmem>>
        %dma_start3A_99 = arith.constant 0 : i32
        %dma_start3A_100 = tpu.memref_slice %arg9[%add3A_50, %dma_start3A_99] : memref<40x128xi32, #tpu.memory_space<vmem>> -> memref<1x128xi32, #tpu.memory_space<vmem>>
        %dma_start3A_101 = tpu.memref_squeeze %dma_start3A_100 : memref<1x128xi32, #tpu.memory_space<vmem>> -> memref<128xi32, #tpu.memory_space<vmem>>
        %dma_start3A_102 = arith.constant 0 : i32
        %dma_start3A_103 = arith.constant 0 : i32
        %dma_start3A_104 = tpu.memref_slice %arg11[%dma_start3A_102, %dma_start3A_103] : memref<10240x128xf32, #tpu.memory_space<vmem_shared>> -> memref<10240x128xf32, #tpu.memory_space<vmem_shared>>
        tpu.enqueue_indirect_dma source(%dma_start3A_98 : memref<128x128xf32, #tpu.memory_space<vmem>>) target(%dma_start3A_104 : memref<10240x128xf32, #tpu.memory_space<vmem_shared>>) offsets(%dma_start3A_101 : memref<128xi32, #tpu.memory_space<vmem>>) semaphore(%run_scoped3A_94 : memref<!tpu.dma_semaphore, #tpu.memory_space<semaphore_mem>>) {add = true}
        %dma_wait3A_105 = arith.constant 0 : i32
        %dma_wait3A_106 = arith.constant 0 : i32
        %dma_wait3A_107 = tpu.memref_slice %arg10[%run_scoped3A, %dma_wait3A_105, %dma_wait3A_106] : memref<2x128x128xf32, #tpu.memory_space<vmem>> -> memref<1x128x128xf32, #tpu.memory_space<vmem>>
        %dma_wait3A_108 = tpu.memref_squeeze %dma_wait3A_107 : memref<1x128x128xf32, #tpu.memory_space<vmem>> -> memref<128x128xf32, #tpu.memory_space<vmem>>
        %dma_wait3A_109 = arith.constant 0 : i32
        %dma_wait3A_110 = tpu.memref_slice %arg9[%add3A_50, %dma_wait3A_109] : memref<40x128xi32, #tpu.memory_space<vmem>> -> memref<1x128xi32, #tpu.memory_space<vmem>>
        %dma_wait3A_111 = tpu.memref_squeeze %dma_wait3A_110 : memref<1x128xi32, #tpu.memory_space<vmem>> -> memref<128xi32, #tpu.memory_space<vmem>>
        %dma_wait3A_112 = arith.constant 0 : i32
        %dma_wait3A_113 = arith.constant 0 : i32
        %dma_wait3A_114 = tpu.memref_slice %arg11[%dma_wait3A_112, %dma_wait3A_113] : memref<10240x128xf32, #tpu.memory_space<vmem_shared>> -> memref<10240x128xf32, #tpu.memory_space<vmem_shared>>
        tpu.wait_indirect_dma semaphore(%run_scoped3A_94 : memref<!tpu.dma_semaphore, #tpu.memory_space<semaphore_mem>>) src(%dma_wait3A_108 : memref<128x128xf32, #tpu.memory_space<vmem>>) dst(%dma_wait3A_114 : memref<10240x128xf32, #tpu.memory_space<vmem_shared>>)
        tpu.yield
      }) : () -> ()
      %add3A_64 = arith.constant 2 : i32
      %add3A_65 = arith.addi %add3A_52, %add3A_64 : i32
      %lt3A = arith.constant 80 : i32
      %lt3A_66 = arith.cmpi slt, %add3A_65, %lt3A : i32
      %convert_element_type3A = arith.extui %lt3A_66 : i1 to i32
      %cond3A = arith.constant 0 : i32
      %cond3A_67 = arith.cmpi ne, %convert_element_type3A, %cond3A : i32
      scf.if %cond3A_67 {
        %add3A_94 = arith.constant 2 : i32
        %add3A_95 = arith.addi %add3A_52, %add3A_94 : i32
        %dma_start3A_96 = arith.constant 0 : i32
        %dma_start3A_97 = arith.constant 0 : i32
        %dma_start3A_98 = arith.constant 0 : i32
        %dma_start3A_99 = tpu.memref_slice %arg10[%dma_start3A_96, %dma_start3A_97, %dma_start3A_98] : memref<2x128x128xf32, #tpu.memory_space<vmem>> -> memref<1x128x128xf32, #tpu.memory_space<vmem>>
        %dma_start3A_100 = tpu.memref_squeeze %dma_start3A_99 : memref<1x128x128xf32, #tpu.memory_space<vmem>> -> memref<128x128xf32, #tpu.memory_space<vmem>>
        %dma_start3A_101 = arith.constant 0 : i32
        %dma_start3A_102 = tpu.memref_slice %arg8[%add3A_95, %dma_start3A_101] : memref<80x128xi32, #tpu.memory_space<vmem>> -> memref<1x128xi32, #tpu.memory_space<vmem>>
        %dma_start3A_103 = tpu.memref_squeeze %dma_start3A_102 : memref<1x128xi32, #tpu.memory_space<vmem>> -> memref<128xi32, #tpu.memory_space<vmem>>
        %dma_start3A_104 = arith.constant 0 : i32
        %dma_start3A_105 = arith.constant 0 : i32
        %dma_start3A_106 = tpu.memref_slice %arg2[%dma_start3A_104, %dma_start3A_105] : memref<20480x128xf32, #tpu.memory_space<hbm>> -> memref<20480x128xf32, #tpu.memory_space<hbm>>
        tpu.enqueue_indirect_dma source(%dma_start3A_106 : memref<20480x128xf32, #tpu.memory_space<hbm>>) target(%dma_start3A_100 : memref<128x128xf32, #tpu.memory_space<vmem>>) offsets(%dma_start3A_103 : memref<128xi32, #tpu.memory_space<vmem>>) semaphore(%arg12 : memref<!tpu.dma_semaphore, #tpu.memory_space<semaphore_mem>>)
      } else {
      }
      %mul3A_68 = arith.constant 2 : i32
      %mul3A_69 = arith.muli %mul3A_68, %scan3A_46 : i32
      %add3A_70 = arith.constant 1 : i32
      %add3A_71 = arith.addi %mul3A_69, %add3A_70 : i32
      %add3A_72 = arith.constant 0 : i32
      %add3A_73 = arith.addi %add3A_72, %add3A_71 : i32
      %dma_wait3A_74 = arith.constant 0 : i32
      %dma_wait3A_75 = arith.constant 1 : i32
      %dma_wait3A_76 = arith.constant 0 : i32
      %dma_wait3A_77 = arith.constant 0 : i32
      %dma_wait3A_78 = tpu.memref_slice %arg10[%dma_wait3A_75, %dma_wait3A_76, %dma_wait3A_77] : memref<2x128x128xf32, #tpu.memory_space<vmem>> -> memref<1x128x128xf32, #tpu.memory_space<vmem>>
      %dma_wait3A_79 = tpu.memref_squeeze %dma_wait3A_78 : memref<1x128x128xf32, #tpu.memory_space<vmem>> -> memref<128x128xf32, #tpu.memory_space<vmem>>
      %dma_wait3A_80 = arith.constant 0 : i32
      %dma_wait3A_81 = tpu.memref_slice %arg8[%dma_wait3A_74, %dma_wait3A_80] : memref<80x128xi32, #tpu.memory_space<vmem>> -> memref<1x128xi32, #tpu.memory_space<vmem>>
      %dma_wait3A_82 = tpu.memref_squeeze %dma_wait3A_81 : memref<1x128xi32, #tpu.memory_space<vmem>> -> memref<128xi32, #tpu.memory_space<vmem>>
      %dma_wait3A_83 = arith.constant 0 : i32
      %dma_wait3A_84 = arith.constant 0 : i32
      %dma_wait3A_85 = tpu.memref_slice %arg2[%dma_wait3A_83, %dma_wait3A_84] : memref<20480x128xf32, #tpu.memory_space<hbm>> -> memref<20480x128xf32, #tpu.memory_space<hbm>>
      tpu.wait_indirect_dma semaphore(%arg12 : memref<!tpu.dma_semaphore, #tpu.memory_space<semaphore_mem>>) src(%dma_wait3A_85 : memref<20480x128xf32, #tpu.memory_space<hbm>>) dst(%dma_wait3A_79 : memref<128x128xf32, #tpu.memory_space<vmem>>)
      %run_scoped3A_86 = arith.constant 1 : i32
      "tpu.region"() ({
        %run_scoped3A_94 = tpu.sem_alloc : memref<!tpu.dma_semaphore, #tpu.memory_space<semaphore_mem>>
        %dma_start3A_95 = arith.constant 0 : i32
        %dma_start3A_96 = arith.constant 0 : i32
        %dma_start3A_97 = tpu.memref_slice %arg10[%run_scoped3A_86, %dma_start3A_95, %dma_start3A_96] : memref<2x128x128xf32, #tpu.memory_space<vmem>> -> memref<1x128x128xf32, #tpu.memory_space<vmem>>
        %dma_start3A_98 = tpu.memref_squeeze %dma_start3A_97 : memref<1x128x128xf32, #tpu.memory_space<vmem>> -> memref<128x128xf32, #tpu.memory_space<vmem>>
        %dma_start3A_99 = arith.constant 0 : i32
        %dma_start3A_100 = tpu.memref_slice %arg9[%add3A_71, %dma_start3A_99] : memref<40x128xi32, #tpu.memory_space<vmem>> -> memref<1x128xi32, #tpu.memory_space<vmem>>
        %dma_start3A_101 = tpu.memref_squeeze %dma_start3A_100 : memref<1x128xi32, #tpu.memory_space<vmem>> -> memref<128xi32, #tpu.memory_space<vmem>>
        %dma_start3A_102 = arith.constant 0 : i32
        %dma_start3A_103 = arith.constant 0 : i32
        %dma_start3A_104 = tpu.memref_slice %arg11[%dma_start3A_102, %dma_start3A_103] : memref<10240x128xf32, #tpu.memory_space<vmem_shared>> -> memref<10240x128xf32, #tpu.memory_space<vmem_shared>>
        tpu.enqueue_indirect_dma source(%dma_start3A_98 : memref<128x128xf32, #tpu.memory_space<vmem>>) target(%dma_start3A_104 : memref<10240x128xf32, #tpu.memory_space<vmem_shared>>) offsets(%dma_start3A_101 : memref<128xi32, #tpu.memory_space<vmem>>) semaphore(%run_scoped3A_94 : memref<!tpu.dma_semaphore, #tpu.memory_space<semaphore_mem>>) {add = true}
        %dma_wait3A_105 = arith.constant 0 : i32
        %dma_wait3A_106 = arith.constant 0 : i32
        %dma_wait3A_107 = tpu.memref_slice %arg10[%run_scoped3A_86, %dma_wait3A_105, %dma_wait3A_106] : memref<2x128x128xf32, #tpu.memory_space<vmem>> -> memref<1x128x128xf32, #tpu.memory_space<vmem>>
        %dma_wait3A_108 = tpu.memref_squeeze %dma_wait3A_107 : memref<1x128x128xf32, #tpu.memory_space<vmem>> -> memref<128x128xf32, #tpu.memory_space<vmem>>
        %dma_wait3A_109 = arith.constant 0 : i32
        %dma_wait3A_110 = tpu.memref_slice %arg9[%add3A_71, %dma_wait3A_109] : memref<40x128xi32, #tpu.memory_space<vmem>> -> memref<1x128xi32, #tpu.memory_space<vmem>>
        %dma_wait3A_111 = tpu.memref_squeeze %dma_wait3A_110 : memref<1x128xi32, #tpu.memory_space<vmem>> -> memref<128xi32, #tpu.memory_space<vmem>>
        %dma_wait3A_112 = arith.constant 0 : i32
        %dma_wait3A_113 = arith.constant 0 : i32
        %dma_wait3A_114 = tpu.memref_slice %arg11[%dma_wait3A_112, %dma_wait3A_113] : memref<10240x128xf32, #tpu.memory_space<vmem_shared>> -> memref<10240x128xf32, #tpu.memory_space<vmem_shared>>
        tpu.wait_indirect_dma semaphore(%run_scoped3A_94 : memref<!tpu.dma_semaphore, #tpu.memory_space<semaphore_mem>>) src(%dma_wait3A_108 : memref<128x128xf32, #tpu.memory_space<vmem>>) dst(%dma_wait3A_114 : memref<10240x128xf32, #tpu.memory_space<vmem_shared>>)
        tpu.yield
      }) : () -> ()
      %add3A_87 = arith.constant 2 : i32
      %add3A_88 = arith.addi %add3A_73, %add3A_87 : i32
      %lt3A_89 = arith.constant 80 : i32
      %lt3A_90 = arith.cmpi slt, %add3A_88, %lt3A_89 : i32
      %convert_element_type3A_91 = arith.extui %lt3A_90 : i1 to i32
      %cond3A_92 = arith.constant 0 : i32
      %cond3A_93 = arith.cmpi ne, %convert_element_type3A_91, %cond3A_92 : i32
      scf.if %cond3A_93 {
        %add3A_94 = arith.constant 2 : i32
        %add3A_95 = arith.addi %add3A_73, %add3A_94 : i32
        %dma_start3A_96 = arith.constant 1 : i32
        %dma_start3A_97 = arith.constant 0 : i32
        %dma_start3A_98 = arith.constant 0 : i32
        %dma_start3A_99 = tpu.memref_slice %arg10[%dma_start3A_96, %dma_start3A_97, %dma_start3A_98] : memref<2x128x128xf32, #tpu.memory_space<vmem>> -> memref<1x128x128xf32, #tpu.memory_space<vmem>>
        %dma_start3A_100 = tpu.memref_squeeze %dma_start3A_99 : memref<1x128x128xf32, #tpu.memory_space<vmem>> -> memref<128x128xf32, #tpu.memory_space<vmem>>
        %dma_start3A_101 = arith.constant 0 : i32
        %dma_start3A_102 = tpu.memref_slice %arg8[%add3A_95, %dma_start3A_101] : memref<80x128xi32, #tpu.memory_space<vmem>> -> memref<1x128xi32, #tpu.memory_space<vmem>>
        %dma_start3A_103 = tpu.memref_squeeze %dma_start3A_102 : memref<1x128xi32, #tpu.memory_space<vmem>> -> memref<128xi32, #tpu.memory_space<vmem>>
        %dma_start3A_104 = arith.constant 0 : i32
        %dma_start3A_105 = arith.constant 0 : i32
        %dma_start3A_106 = tpu.memref_slice %arg2[%dma_start3A_104, %dma_start3A_105] : memref<20480x128xf32, #tpu.memory_space<hbm>> -> memref<20480x128xf32, #tpu.memory_space<hbm>>
        tpu.enqueue_indirect_dma source(%dma_start3A_106 : memref<20480x128xf32, #tpu.memory_space<hbm>>) target(%dma_start3A_100 : memref<128x128xf32, #tpu.memory_space<vmem>>) offsets(%dma_start3A_103 : memref<128xi32, #tpu.memory_space<vmem>>) semaphore(%arg12 : memref<!tpu.dma_semaphore, #tpu.memory_space<semaphore_mem>>)
      } else {
      }
    }
    %scan3A_34 = arith.constant 20 : i32
    "tpu.region"() ({
      %run_scoped3A = tpu.sem_alloc : memref<!tpu.dma_semaphore, #tpu.memory_space<semaphore_mem>>
      %dma_start3A_46 = arith.constant 40 : i32
      %dma_start3A_47 = arith.constant 0 : i32
      %dma_start3A_48 = tpu.memref_slice %arg4[%arg1, %dma_start3A_46, %dma_start3A_47] : memref<16x80x128xi32, #tpu.memory_space<hbm>> -> memref<1x40x128xi32, #tpu.memory_space<hbm>>
      %dma_start3A_49 = tpu.memref_squeeze %dma_start3A_48 : memref<1x40x128xi32, #tpu.memory_space<hbm>> -> memref<40x128xi32, #tpu.memory_space<hbm>>
      %dma_start3A_50 = arith.constant 40 : i32
      %dma_start3A_51 = arith.constant 0 : i32
      %dma_start3A_52 = tpu.memref_slice %arg4[%arg1, %dma_start3A_50, %dma_start3A_51] : memref<16x80x128xi32, #tpu.memory_space<hbm>> -> memref<1x40x128xi32, #tpu.memory_space<hbm>>
      %dma_start3A_53 = tpu.memref_squeeze %dma_start3A_52 : memref<1x40x128xi32, #tpu.memory_space<hbm>> -> memref<40x128xi32, #tpu.memory_space<hbm>>
      tpu.enqueue_dma source(%dma_start3A_53 : memref<40x128xi32, #tpu.memory_space<hbm>>) target(%arg9 : memref<40x128xi32, #tpu.memory_space<vmem>>) target_semaphore(%run_scoped3A : memref<!tpu.dma_semaphore, #tpu.memory_space<semaphore_mem>>)
      %dma_wait3A = arith.constant 40 : i32
      %dma_wait3A_54 = arith.constant 0 : i32
      %dma_wait3A_55 = tpu.memref_slice %arg4[%arg1, %dma_wait3A, %dma_wait3A_54] : memref<16x80x128xi32, #tpu.memory_space<hbm>> -> memref<1x40x128xi32, #tpu.memory_space<hbm>>
      %dma_wait3A_56 = tpu.memref_squeeze %dma_wait3A_55 : memref<1x40x128xi32, #tpu.memory_space<hbm>> -> memref<40x128xi32, #tpu.memory_space<hbm>>
      %dma_wait3A_57 = arith.constant 40 : i32
      %dma_wait3A_58 = arith.constant 0 : i32
      %dma_wait3A_59 = tpu.memref_slice %arg4[%arg1, %dma_wait3A_57, %dma_wait3A_58] : memref<16x80x128xi32, #tpu.memory_space<hbm>> -> memref<1x40x128xi32, #tpu.memory_space<hbm>>
      %dma_wait3A_60 = tpu.memref_squeeze %dma_wait3A_59 : memref<1x40x128xi32, #tpu.memory_space<hbm>> -> memref<40x128xi32, #tpu.memory_space<hbm>>
      tpu.wait_dma2 semaphore(%run_scoped3A : memref<!tpu.dma_semaphore, #tpu.memory_space<semaphore_mem>>) src(%dma_wait3A_60 : memref<40x128xi32, #tpu.memory_space<hbm>>) dst(%arg9 : memref<40x128xi32, #tpu.memory_space<vmem>>)
      tpu.yield
    }) : () -> ()
    %scan3A_35 = arith.constant 0 : i32
    %scan3A_36 = arith.constant 0 : i32
    %scan3A_37 = arith.constant 20 : i32
    %scan3A_38 = arith.addi %scan3A_36, %scan3A_37 : i32
    %scan3A_39 = arith.constant 1 : i32
    scf.for %scan3A_46 = %scan3A_36 to %scan3A_38 step %scan3A_39  : i32 {
      %mul3A_47 = arith.constant 2 : i32
      %mul3A_48 = arith.muli %mul3A_47, %scan3A_46 : i32
      %add3A_49 = arith.constant 0 : i32
      %add3A_50 = arith.addi %mul3A_48, %add3A_49 : i32
      %add3A_51 = arith.constant 40 : i32
      %add3A_52 = arith.addi %add3A_51, %add3A_50 : i32
      %dma_wait3A = arith.constant 0 : i32
      %dma_wait3A_53 = arith.constant 0 : i32
      %dma_wait3A_54 = arith.constant 0 : i32
      %dma_wait3A_55 = arith.constant 0 : i32
      %dma_wait3A_56 = tpu.memref_slice %arg10[%dma_wait3A_53, %dma_wait3A_54, %dma_wait3A_55] : memref<2x128x128xf32, #tpu.memory_space<vmem>> -> memref<1x128x128xf32, #tpu.memory_space<vmem>>
      %dma_wait3A_57 = tpu.memref_squeeze %dma_wait3A_56 : memref<1x128x128xf32, #tpu.memory_space<vmem>> -> memref<128x128xf32, #tpu.memory_space<vmem>>
      %dma_wait3A_58 = arith.constant 0 : i32
      %dma_wait3A_59 = tpu.memref_slice %arg8[%dma_wait3A, %dma_wait3A_58] : memref<80x128xi32, #tpu.memory_space<vmem>> -> memref<1x128xi32, #tpu.memory_space<vmem>>
      %dma_wait3A_60 = tpu.memref_squeeze %dma_wait3A_59 : memref<1x128xi32, #tpu.memory_space<vmem>> -> memref<128xi32, #tpu.memory_space<vmem>>
      %dma_wait3A_61 = arith.constant 0 : i32
      %dma_wait3A_62 = arith.constant 0 : i32
      %dma_wait3A_63 = tpu.memref_slice %arg2[%dma_wait3A_61, %dma_wait3A_62] : memref<20480x128xf32, #tpu.memory_space<hbm>> -> memref<20480x128xf32, #tpu.memory_space<hbm>>
      tpu.wait_indirect_dma semaphore(%arg12 : memref<!tpu.dma_semaphore, #tpu.memory_space<semaphore_mem>>) src(%dma_wait3A_63 : memref<20480x128xf32, #tpu.memory_space<hbm>>) dst(%dma_wait3A_57 : memref<128x128xf32, #tpu.memory_space<vmem>>)
      %run_scoped3A = arith.constant 0 : i32
      "tpu.region"() ({
        %run_scoped3A_94 = tpu.sem_alloc : memref<!tpu.dma_semaphore, #tpu.memory_space<semaphore_mem>>
        %dma_start3A_95 = arith.constant 0 : i32
        %dma_start3A_96 = arith.constant 0 : i32
        %dma_start3A_97 = tpu.memref_slice %arg10[%run_scoped3A, %dma_start3A_95, %dma_start3A_96] : memref<2x128x128xf32, #tpu.memory_space<vmem>> -> memref<1x128x128xf32, #tpu.memory_space<vmem>>
        %dma_start3A_98 = tpu.memref_squeeze %dma_start3A_97 : memref<1x128x128xf32, #tpu.memory_space<vmem>> -> memref<128x128xf32, #tpu.memory_space<vmem>>
        %dma_start3A_99 = arith.constant 0 : i32
        %dma_start3A_100 = tpu.memref_slice %arg9[%add3A_50, %dma_start3A_99] : memref<40x128xi32, #tpu.memory_space<vmem>> -> memref<1x128xi32, #tpu.memory_space<vmem>>
        %dma_start3A_101 = tpu.memref_squeeze %dma_start3A_100 : memref<1x128xi32, #tpu.memory_space<vmem>> -> memref<128xi32, #tpu.memory_space<vmem>>
        %dma_start3A_102 = arith.constant 0 : i32
        %dma_start3A_103 = arith.constant 0 : i32
        %dma_start3A_104 = tpu.memref_slice %arg11[%dma_start3A_102, %dma_start3A_103] : memref<10240x128xf32, #tpu.memory_space<vmem_shared>> -> memref<10240x128xf32, #tpu.memory_space<vmem_shared>>
        tpu.enqueue_indirect_dma source(%dma_start3A_98 : memref<128x128xf32, #tpu.memory_space<vmem>>) target(%dma_start3A_104 : memref<10240x128xf32, #tpu.memory_space<vmem_shared>>) offsets(%dma_start3A_101 : memref<128xi32, #tpu.memory_space<vmem>>) semaphore(%run_scoped3A_94 : memref<!tpu.dma_semaphore, #tpu.memory_space<semaphore_mem>>) {add = true}
        %dma_wait3A_105 = arith.constant 0 : i32
        %dma_wait3A_106 = arith.constant 0 : i32
        %dma_wait3A_107 = tpu.memref_slice %arg10[%run_scoped3A, %dma_wait3A_105, %dma_wait3A_106] : memref<2x128x128xf32, #tpu.memory_space<vmem>> -> memref<1x128x128xf32, #tpu.memory_space<vmem>>
        %dma_wait3A_108 = tpu.memref_squeeze %dma_wait3A_107 : memref<1x128x128xf32, #tpu.memory_space<vmem>> -> memref<128x128xf32, #tpu.memory_space<vmem>>
        %dma_wait3A_109 = arith.constant 0 : i32
        %dma_wait3A_110 = tpu.memref_slice %arg9[%add3A_50, %dma_wait3A_109] : memref<40x128xi32, #tpu.memory_space<vmem>> -> memref<1x128xi32, #tpu.memory_space<vmem>>
        %dma_wait3A_111 = tpu.memref_squeeze %dma_wait3A_110 : memref<1x128xi32, #tpu.memory_space<vmem>> -> memref<128xi32, #tpu.memory_space<vmem>>
        %dma_wait3A_112 = arith.constant 0 : i32
        %dma_wait3A_113 = arith.constant 0 : i32
        %dma_wait3A_114 = tpu.memref_slice %arg11[%dma_wait3A_112, %dma_wait3A_113] : memref<10240x128xf32, #tpu.memory_space<vmem_shared>> -> memref<10240x128xf32, #tpu.memory_space<vmem_shared>>
        tpu.wait_indirect_dma semaphore(%run_scoped3A_94 : memref<!tpu.dma_semaphore, #tpu.memory_space<semaphore_mem>>) src(%dma_wait3A_108 : memref<128x128xf32, #tpu.memory_space<vmem>>) dst(%dma_wait3A_114 : memref<10240x128xf32, #tpu.memory_space<vmem_shared>>)
        tpu.yield
      }) : () -> ()
      %add3A_64 = arith.constant 2 : i32
      %add3A_65 = arith.addi %add3A_52, %add3A_64 : i32
      %lt3A = arith.constant 80 : i32
      %lt3A_66 = arith.cmpi slt, %add3A_65, %lt3A : i32
      %convert_element_type3A = arith.extui %lt3A_66 : i1 to i32
      %cond3A = arith.constant 0 : i32
      %cond3A_67 = arith.cmpi ne, %convert_element_type3A, %cond3A : i32
      scf.if %cond3A_67 {
        %add3A_94 = arith.constant 2 : i32
        %add3A_95 = arith.addi %add3A_52, %add3A_94 : i32
        %dma_start3A_96 = arith.constant 0 : i32
        %dma_start3A_97 = arith.constant 0 : i32
        %dma_start3A_98 = arith.constant 0 : i32
        %dma_start3A_99 = tpu.memref_slice %arg10[%dma_start3A_96, %dma_start3A_97, %dma_start3A_98] : memref<2x128x128xf32, #tpu.memory_space<vmem>> -> memref<1x128x128xf32, #tpu.memory_space<vmem>>
        %dma_start3A_100 = tpu.memref_squeeze %dma_start3A_99 : memref<1x128x128xf32, #tpu.memory_space<vmem>> -> memref<128x128xf32, #tpu.memory_space<vmem>>
        %dma_start3A_101 = arith.constant 0 : i32
        %dma_start3A_102 = tpu.memref_slice %arg8[%add3A_95, %dma_start3A_101] : memref<80x128xi32, #tpu.memory_space<vmem>> -> memref<1x128xi32, #tpu.memory_space<vmem>>
        %dma_start3A_103 = tpu.memref_squeeze %dma_start3A_102 : memref<1x128xi32, #tpu.memory_space<vmem>> -> memref<128xi32, #tpu.memory_space<vmem>>
        %dma_start3A_104 = arith.constant 0 : i32
        %dma_start3A_105 = arith.constant 0 : i32
        %dma_start3A_106 = tpu.memref_slice %arg2[%dma_start3A_104, %dma_start3A_105] : memref<20480x128xf32, #tpu.memory_space<hbm>> -> memref<20480x128xf32, #tpu.memory_space<hbm>>
        tpu.enqueue_indirect_dma source(%dma_start3A_106 : memref<20480x128xf32, #tpu.memory_space<hbm>>) target(%dma_start3A_100 : memref<128x128xf32, #tpu.memory_space<vmem>>) offsets(%dma_start3A_103 : memref<128xi32, #tpu.memory_space<vmem>>) semaphore(%arg12 : memref<!tpu.dma_semaphore, #tpu.memory_space<semaphore_mem>>)
      } else {
      }
      %mul3A_68 = arith.constant 2 : i32
      %mul3A_69 = arith.muli %mul3A_68, %scan3A_46 : i32
      %add3A_70 = arith.constant 1 : i32
      %add3A_71 = arith.addi %mul3A_69, %add3A_70 : i32
      %add3A_72 = arith.constant 40 : i32
      %add3A_73 = arith.addi %add3A_72, %add3A_71 : i32
      %dma_wait3A_74 = arith.constant 0 : i32
      %dma_wait3A_75 = arith.constant 1 : i32
      %dma_wait3A_76 = arith.constant 0 : i32
      %dma_wait3A_77 = arith.constant 0 : i32
      %dma_wait3A_78 = tpu.memref_slice %arg10[%dma_wait3A_75, %dma_wait3A_76, %dma_wait3A_77] : memref<2x128x128xf32, #tpu.memory_space<vmem>> -> memref<1x128x128xf32, #tpu.memory_space<vmem>>
      %dma_wait3A_79 = tpu.memref_squeeze %dma_wait3A_78 : memref<1x128x128xf32, #tpu.memory_space<vmem>> -> memref<128x128xf32, #tpu.memory_space<vmem>>
      %dma_wait3A_80 = arith.constant 0 : i32
      %dma_wait3A_81 = tpu.memref_slice %arg8[%dma_wait3A_74, %dma_wait3A_80] : memref<80x128xi32, #tpu.memory_space<vmem>> -> memref<1x128xi32, #tpu.memory_space<vmem>>
      %dma_wait3A_82 = tpu.memref_squeeze %dma_wait3A_81 : memref<1x128xi32, #tpu.memory_space<vmem>> -> memref<128xi32, #tpu.memory_space<vmem>>
      %dma_wait3A_83 = arith.constant 0 : i32
      %dma_wait3A_84 = arith.constant 0 : i32
      %dma_wait3A_85 = tpu.memref_slice %arg2[%dma_wait3A_83, %dma_wait3A_84] : memref<20480x128xf32, #tpu.memory_space<hbm>> -> memref<20480x128xf32, #tpu.memory_space<hbm>>
      tpu.wait_indirect_dma semaphore(%arg12 : memref<!tpu.dma_semaphore, #tpu.memory_space<semaphore_mem>>) src(%dma_wait3A_85 : memref<20480x128xf32, #tpu.memory_space<hbm>>) dst(%dma_wait3A_79 : memref<128x128xf32, #tpu.memory_space<vmem>>)
      %run_scoped3A_86 = arith.constant 1 : i32
      "tpu.region"() ({
        %run_scoped3A_94 = tpu.sem_alloc : memref<!tpu.dma_semaphore, #tpu.memory_space<semaphore_mem>>
        %dma_start3A_95 = arith.constant 0 : i32
        %dma_start3A_96 = arith.constant 0 : i32
        %dma_start3A_97 = tpu.memref_slice %arg10[%run_scoped3A_86, %dma_start3A_95, %dma_start3A_96] : memref<2x128x128xf32, #tpu.memory_space<vmem>> -> memref<1x128x128xf32, #tpu.memory_space<vmem>>
        %dma_start3A_98 = tpu.memref_squeeze %dma_start3A_97 : memref<1x128x128xf32, #tpu.memory_space<vmem>> -> memref<128x128xf32, #tpu.memory_space<vmem>>
        %dma_start3A_99 = arith.constant 0 : i32
        %dma_start3A_100 = tpu.memref_slice %arg9[%add3A_71, %dma_start3A_99] : memref<40x128xi32, #tpu.memory_space<vmem>> -> memref<1x128xi32, #tpu.memory_space<vmem>>
        %dma_start3A_101 = tpu.memref_squeeze %dma_start3A_100 : memref<1x128xi32, #tpu.memory_space<vmem>> -> memref<128xi32, #tpu.memory_space<vmem>>
        %dma_start3A_102 = arith.constant 0 : i32
        %dma_start3A_103 = arith.constant 0 : i32
        %dma_start3A_104 = tpu.memref_slice %arg11[%dma_start3A_102, %dma_start3A_103] : memref<10240x128xf32, #tpu.memory_space<vmem_shared>> -> memref<10240x128xf32, #tpu.memory_space<vmem_shared>>
        tpu.enqueue_indirect_dma source(%dma_start3A_98 : memref<128x128xf32, #tpu.memory_space<vmem>>) target(%dma_start3A_104 : memref<10240x128xf32, #tpu.memory_space<vmem_shared>>) offsets(%dma_start3A_101 : memref<128xi32, #tpu.memory_space<vmem>>) semaphore(%run_scoped3A_94 : memref<!tpu.dma_semaphore, #tpu.memory_space<semaphore_mem>>) {add = true}
        %dma_wait3A_105 = arith.constant 0 : i32
        %dma_wait3A_106 = arith.constant 0 : i32
        %dma_wait3A_107 = tpu.memref_slice %arg10[%run_scoped3A_86, %dma_wait3A_105, %dma_wait3A_106] : memref<2x128x128xf32, #tpu.memory_space<vmem>> -> memref<1x128x128xf32, #tpu.memory_space<vmem>>
        %dma_wait3A_108 = tpu.memref_squeeze %dma_wait3A_107 : memref<1x128x128xf32, #tpu.memory_space<vmem>> -> memref<128x128xf32, #tpu.memory_space<vmem>>
        %dma_wait3A_109 = arith.constant 0 : i32
        %dma_wait3A_110 = tpu.memref_slice %arg9[%add3A_71, %dma_wait3A_109] : memref<40x128xi32, #tpu.memory_space<vmem>> -> memref<1x128xi32, #tpu.memory_space<vmem>>
        %dma_wait3A_111 = tpu.memref_squeeze %dma_wait3A_110 : memref<1x128xi32, #tpu.memory_space<vmem>> -> memref<128xi32, #tpu.memory_space<vmem>>
        %dma_wait3A_112 = arith.constant 0 : i32
        %dma_wait3A_113 = arith.constant 0 : i32
        %dma_wait3A_114 = tpu.memref_slice %arg11[%dma_wait3A_112, %dma_wait3A_113] : memref<10240x128xf32, #tpu.memory_space<vmem_shared>> -> memref<10240x128xf32, #tpu.memory_space<vmem_shared>>
        tpu.wait_indirect_dma semaphore(%run_scoped3A_94 : memref<!tpu.dma_semaphore, #tpu.memory_space<semaphore_mem>>) src(%dma_wait3A_108 : memref<128x128xf32, #tpu.memory_space<vmem>>) dst(%dma_wait3A_114 : memref<10240x128xf32, #tpu.memory_space<vmem_shared>>)
        tpu.yield
      }) : () -> ()
      %add3A_87 = arith.constant 2 : i32
      %add3A_88 = arith.addi %add3A_73, %add3A_87 : i32
      %lt3A_89 = arith.constant 80 : i32
      %lt3A_90 = arith.cmpi slt, %add3A_88, %lt3A_89 : i32
      %convert_element_type3A_91 = arith.extui %lt3A_90 : i1 to i32
      %cond3A_92 = arith.constant 0 : i32
      %cond3A_93 = arith.cmpi ne, %convert_element_type3A_91, %cond3A_92 : i32
      scf.if %cond3A_93 {
        %add3A_94 = arith.constant 2 : i32
        %add3A_95 = arith.addi %add3A_73, %add3A_94 : i32
        %dma_start3A_96 = arith.constant 1 : i32
        %dma_start3A_97 = arith.constant 0 : i32
        %dma_start3A_98 = arith.constant 0 : i32
        %dma_start3A_99 = tpu.memref_slice %arg10[%dma_start3A_96, %dma_start3A_97, %dma_start3A_98] : memref<2x128x128xf32, #tpu.memory_space<vmem>> -> memref<1x128x128xf32, #tpu.memory_space<vmem>>
        %dma_start3A_100 = tpu.memref_squeeze %dma_start3A_99 : memref<1x128x128xf32, #tpu.memory_space<vmem>> -> memref<128x128xf32, #tpu.memory_space<vmem>>
        %dma_start3A_101 = arith.constant 0 : i32
        %dma_start3A_102 = tpu.memref_slice %arg8[%add3A_95, %dma_start3A_101] : memref<80x128xi32, #tpu.memory_space<vmem>> -> memref<1x128xi32, #tpu.memory_space<vmem>>
        %dma_start3A_103 = tpu.memref_squeeze %dma_start3A_102 : memref<1x128xi32, #tpu.memory_space<vmem>> -> memref<128xi32, #tpu.memory_space<vmem>>
        %dma_start3A_104 = arith.constant 0 : i32
        %dma_start3A_105 = arith.constant 0 : i32
        %dma_start3A_106 = tpu.memref_slice %arg2[%dma_start3A_104, %dma_start3A_105] : memref<20480x128xf32, #tpu.memory_space<hbm>> -> memref<20480x128xf32, #tpu.memory_space<hbm>>
        tpu.enqueue_indirect_dma source(%dma_start3A_106 : memref<20480x128xf32, #tpu.memory_space<hbm>>) target(%dma_start3A_100 : memref<128x128xf32, #tpu.memory_space<vmem>>) offsets(%dma_start3A_103 : memref<128xi32, #tpu.memory_space<vmem>>) semaphore(%arg12 : memref<!tpu.dma_semaphore, #tpu.memory_space<semaphore_mem>>)
      } else {
      }
    }
    %scan3A_40 = arith.constant 20 : i32
    %barrier3A_41 = arith.constant 0 : index
    tpu.barrier barrier_id(%barrier3A_41)
    %mul3A_42 = arith.constant 640 : i32
    %mul3A_43 = arith.muli %arg1, %mul3A_42 : i32
    %mul3A_44 = arith.constant 10240 : i32
    %mul3A_45 = arith.muli %arg0, %mul3A_44 : i32
    %add3A = arith.addi %mul3A_45, %mul3A_43 : i32
    "tpu.region"() ({
      %run_scoped3A = tpu.sem_alloc : memref<!tpu.dma_semaphore, #tpu.memory_space<semaphore_mem>>
      %dma_start3A_46 = arith.constant 0 : i32
      %dma_start3A_47 = tpu.memref_slice %arg7[%add3A, %dma_start3A_46] : memref<20480x128xf32, #tpu.memory_space<hbm>> -> memref<640x128xf32, #tpu.memory_space<hbm>>
      %dma_start3A_48 = arith.constant 0 : i32
      %dma_start3A_49 = tpu.memref_slice %arg11[%mul3A_43, %dma_start3A_48] : memref<10240x128xf32, #tpu.memory_space<vmem_shared>> -> memref<640x128xf32, #tpu.memory_space<vmem_shared>>
      tpu.enqueue_dma source(%dma_start3A_49 : memref<640x128xf32, #tpu.memory_space<vmem_shared>>) target(%dma_start3A_47 : memref<640x128xf32, #tpu.memory_space<hbm>>) target_semaphore(%run_scoped3A : memref<!tpu.dma_semaphore, #tpu.memory_space<semaphore_mem>>)
      %dma_wait3A = arith.constant 0 : i32
      %dma_wait3A_50 = tpu.memref_slice %arg7[%add3A, %dma_wait3A] : memref<20480x128xf32, #tpu.memory_space<hbm>> -> memref<640x128xf32, #tpu.memory_space<hbm>>
      %dma_wait3A_51 = arith.constant 0 : i32
      %dma_wait3A_52 = tpu.memref_slice %arg11[%mul3A_43, %dma_wait3A_51] : memref<10240x128xf32, #tpu.memory_space<vmem_shared>> -> memref<640x128xf32, #tpu.memory_space<vmem_shared>>
      tpu.wait_dma2 semaphore(%run_scoped3A : memref<!tpu.dma_semaphore, #tpu.memory_space<semaphore_mem>>) src(%dma_wait3A_52 : memref<640x128xf32, #tpu.memory_space<vmem_shared>>) dst(%dma_wait3A_50 : memref<640x128xf32, #tpu.memory_space<hbm>>)
      tpu.yield
    }) : () -> ()
    return
  }
}

#map = affine_map<(d0, d1) -> (0, 0)>
#map1 = affine_map<(d0, d1) -> (0, 0, 0)>
module attributes {stable_mosaic.version = 14 : i64} {
  func.func @k(%arg0: i32, %arg1: i32, %arg2: memref<20480x128xf32, #tpu.memory_space<hbm>>, %arg3: memref<16x80x128xi32, #tpu.memory_space<hbm>>, %arg4: memref<16x80x128xi32, #tpu.memory_space<hbm>>, %arg5: memref<10240x128xf32, #tpu.memory_space<hbm>>, %arg6: memref<128x128xf32, #tpu.memory_space<hbm>>, %arg7: memref<20480x128xf32, #tpu.memory_space<hbm>>, %arg8: memref<20480x128xf32, #tpu.memory_space<hbm>>, %arg9: memref<80x128xi32, #tpu.memory_space<vmem>>, %arg10: memref<40x128xi32, #tpu.memory_space<vmem>>, %arg11: memref<2x128x128xf32, #tpu.memory_space<vmem>>, %arg12: memref<10240x128xf32, #tpu.memory_space<vmem_shared>>, %arg13: memref<!tpu.dma_semaphore, #tpu.memory_space<semaphore_mem>>) attributes {dimension_semantics = [#tpu.dimension_semantics<core_parallel>, #tpu.dimension_semantics<subcore_parallel>], iteration_bounds = array<i64: 2, 16>, scalar_prefetch = 0 : i64, scratch_operands = 5 : i64, tpu.core_type = #tpu.core_type<sc_vector_subcore>, window_params = [{transform_indices = #map}, {transform_indices = #map1}, {transform_indices = #map1}, {transform_indices = #map}, {transform_indices = #map}, {transform_indices = #map}, {transform_indices = #map}]} {
    %mul3A = arith.constant 640 : i32
    %mul3A_0 = arith.muli %arg1, %mul3A : i32
    "tpu.region"() ({
      %run_scoped3A_61 = tpu.sem_alloc : memref<!tpu.dma_semaphore, #tpu.memory_space<semaphore_mem>>
      %dma_start3A_62 = arith.constant 0 : i32
      %dma_start3A_63 = tpu.memref_slice %arg12[%mul3A_0, %dma_start3A_62] : memref<10240x128xf32, #tpu.memory_space<vmem_shared>> -> memref<640x128xf32, #tpu.memory_space<vmem_shared>>
      %dma_start3A_64 = arith.constant 0 : i32
      %dma_start3A_65 = tpu.memref_slice %arg5[%mul3A_0, %dma_start3A_64] : memref<10240x128xf32, #tpu.memory_space<hbm>> -> memref<640x128xf32, #tpu.memory_space<hbm>>
      tpu.enqueue_dma source(%dma_start3A_65 : memref<640x128xf32, #tpu.memory_space<hbm>>) target(%dma_start3A_63 : memref<640x128xf32, #tpu.memory_space<vmem_shared>>) target_semaphore(%run_scoped3A_61 : memref<!tpu.dma_semaphore, #tpu.memory_space<semaphore_mem>>)
      %dma_wait3A = arith.constant 0 : i32
      %dma_wait3A_66 = tpu.memref_slice %arg12[%mul3A_0, %dma_wait3A] : memref<10240x128xf32, #tpu.memory_space<vmem_shared>> -> memref<640x128xf32, #tpu.memory_space<vmem_shared>>
      %dma_wait3A_67 = arith.constant 0 : i32
      %dma_wait3A_68 = tpu.memref_slice %arg5[%mul3A_0, %dma_wait3A_67] : memref<10240x128xf32, #tpu.memory_space<hbm>> -> memref<640x128xf32, #tpu.memory_space<hbm>>
      tpu.wait_dma2 semaphore(%run_scoped3A_61 : memref<!tpu.dma_semaphore, #tpu.memory_space<semaphore_mem>>) src(%dma_wait3A_68 : memref<640x128xf32, #tpu.memory_space<hbm>>) dst(%dma_wait3A_66 : memref<640x128xf32, #tpu.memory_space<vmem_shared>>)
      tpu.yield
    }) : () -> ()
    "tpu.region"() ({
      %run_scoped3A_61 = tpu.sem_alloc : memref<!tpu.dma_semaphore, #tpu.memory_space<semaphore_mem>>
      %dma_start3A_62 = arith.constant 0 : i32
      %dma_start3A_63 = arith.constant 0 : i32
      %dma_start3A_64 = tpu.memref_slice %arg3[%arg1, %dma_start3A_62, %dma_start3A_63] : memref<16x80x128xi32, #tpu.memory_space<hbm>> -> memref<1x80x128xi32, #tpu.memory_space<hbm>>
      %dma_start3A_65 = tpu.memref_squeeze %dma_start3A_64 : memref<1x80x128xi32, #tpu.memory_space<hbm>> -> memref<80x128xi32, #tpu.memory_space<hbm>>
      %dma_start3A_66 = arith.constant 0 : i32
      %dma_start3A_67 = arith.constant 0 : i32
      %dma_start3A_68 = tpu.memref_slice %arg3[%arg1, %dma_start3A_66, %dma_start3A_67] : memref<16x80x128xi32, #tpu.memory_space<hbm>> -> memref<1x80x128xi32, #tpu.memory_space<hbm>>
      %dma_start3A_69 = tpu.memref_squeeze %dma_start3A_68 : memref<1x80x128xi32, #tpu.memory_space<hbm>> -> memref<80x128xi32, #tpu.memory_space<hbm>>
      tpu.enqueue_dma source(%dma_start3A_69 : memref<80x128xi32, #tpu.memory_space<hbm>>) target(%arg9 : memref<80x128xi32, #tpu.memory_space<vmem>>) target_semaphore(%run_scoped3A_61 : memref<!tpu.dma_semaphore, #tpu.memory_space<semaphore_mem>>)
      %dma_wait3A = arith.constant 0 : i32
      %dma_wait3A_70 = arith.constant 0 : i32
      %dma_wait3A_71 = tpu.memref_slice %arg3[%arg1, %dma_wait3A, %dma_wait3A_70] : memref<16x80x128xi32, #tpu.memory_space<hbm>> -> memref<1x80x128xi32, #tpu.memory_space<hbm>>
      %dma_wait3A_72 = tpu.memref_squeeze %dma_wait3A_71 : memref<1x80x128xi32, #tpu.memory_space<hbm>> -> memref<80x128xi32, #tpu.memory_space<hbm>>
      %dma_wait3A_73 = arith.constant 0 : i32
      %dma_wait3A_74 = arith.constant 0 : i32
      %dma_wait3A_75 = tpu.memref_slice %arg3[%arg1, %dma_wait3A_73, %dma_wait3A_74] : memref<16x80x128xi32, #tpu.memory_space<hbm>> -> memref<1x80x128xi32, #tpu.memory_space<hbm>>
      %dma_wait3A_76 = tpu.memref_squeeze %dma_wait3A_75 : memref<1x80x128xi32, #tpu.memory_space<hbm>> -> memref<80x128xi32, #tpu.memory_space<hbm>>
      tpu.wait_dma2 semaphore(%run_scoped3A_61 : memref<!tpu.dma_semaphore, #tpu.memory_space<semaphore_mem>>) src(%dma_wait3A_76 : memref<80x128xi32, #tpu.memory_space<hbm>>) dst(%arg9 : memref<80x128xi32, #tpu.memory_space<vmem>>)
      tpu.yield
    }) : () -> ()
    %scan3A = arith.constant 0 : i32
    %scan3A_1 = arith.constant 0 : i32
    %scan3A_2 = arith.constant 80 : i32
    %scan3A_3 = arith.addi %scan3A_1, %scan3A_2 : i32
    %scan3A_4 = arith.constant 1 : i32
    scf.for %scan3A_61 = %scan3A_1 to %scan3A_3 step %scan3A_4  : i32 {
      %get3A = arith.index_cast %scan3A_61 : i32 to index
      %get3A_62 = arith.constant 0 : index
      %get3A_63 = tpu.vector_load %arg9[%get3A, %get3A_62] {strides = array<i32>} : memref<80x128xi32, #tpu.memory_space<vmem>>, vector<1x16xi32>,
      %get3A_64 = vector.shape_cast %get3A_63 : vector<1x16xi32> to vector<16xi32>
      %add3A_65 = arith.addi %get3A_64, %get3A_64 : vector<16xi32>
      %add3A_66 = vector.broadcast %arg0 : i32 to vector<16xi32>
      %add3A_67 = arith.addi %add3A_65, %add3A_66 : vector<16xi32>
      %swap3A = arith.index_cast %scan3A_61 : i32 to index
      %swap3A_68 = arith.constant 0 : index
      %swap3A_69 = tpu.vector_load %arg9[%swap3A, %swap3A_68] {strides = array<i32>} : memref<80x128xi32, #tpu.memory_space<vmem>>, vector<1x16xi32>,
      %swap3A_70 = vector.shape_cast %swap3A_69 : vector<1x16xi32> to vector<16xi32>
      %swap3A_71 = vector.shape_cast %add3A_67 : vector<16xi32> to vector<1x16xi32>
      tpu.vector_store %arg9[%swap3A, %swap3A_68], %swap3A_71 {strides = array<i32>} : memref<80x128xi32, #tpu.memory_space<vmem>>, vector<1x16xi32>,
      %get3A_72 = arith.index_cast %scan3A_61 : i32 to index
      %get3A_73 = arith.constant 16 : index
      %get3A_74 = tpu.vector_load %arg9[%get3A_72, %get3A_73] {strides = array<i32>} : memref<80x128xi32, #tpu.memory_space<vmem>>, vector<1x16xi32>,
      %get3A_75 = vector.shape_cast %get3A_74 : vector<1x16xi32> to vector<16xi32>
      %add3A_76 = arith.addi %get3A_75, %get3A_75 : vector<16xi32>
      %add3A_77 = vector.broadcast %arg0 : i32 to vector<16xi32>
      %add3A_78 = arith.addi %add3A_76, %add3A_77 : vector<16xi32>
      %swap3A_79 = arith.index_cast %scan3A_61 : i32 to index
      %swap3A_80 = arith.constant 16 : index
      %swap3A_81 = tpu.vector_load %arg9[%swap3A_79, %swap3A_80] {strides = array<i32>} : memref<80x128xi32, #tpu.memory_space<vmem>>, vector<1x16xi32>,
      %swap3A_82 = vector.shape_cast %swap3A_81 : vector<1x16xi32> to vector<16xi32>
      %swap3A_83 = vector.shape_cast %add3A_78 : vector<16xi32> to vector<1x16xi32>
      tpu.vector_store %arg9[%swap3A_79, %swap3A_80], %swap3A_83 {strides = array<i32>} : memref<80x128xi32, #tpu.memory_space<vmem>>, vector<1x16xi32>,
      %get3A_84 = arith.index_cast %scan3A_61 : i32 to index
      %get3A_85 = arith.constant 32 : index
      %get3A_86 = tpu.vector_load %arg9[%get3A_84, %get3A_85] {strides = array<i32>} : memref<80x128xi32, #tpu.memory_space<vmem>>, vector<1x16xi32>,
      %get3A_87 = vector.shape_cast %get3A_86 : vector<1x16xi32> to vector<16xi32>
      %add3A_88 = arith.addi %get3A_87, %get3A_87 : vector<16xi32>
      %add3A_89 = vector.broadcast %arg0 : i32 to vector<16xi32>
      %add3A_90 = arith.addi %add3A_88, %add3A_89 : vector<16xi32>
      %swap3A_91 = arith.index_cast %scan3A_61 : i32 to index
      %swap3A_92 = arith.constant 32 : index
      %swap3A_93 = tpu.vector_load %arg9[%swap3A_91, %swap3A_92] {strides = array<i32>} : memref<80x128xi32, #tpu.memory_space<vmem>>, vector<1x16xi32>,
      %swap3A_94 = vector.shape_cast %swap3A_93 : vector<1x16xi32> to vector<16xi32>
      %swap3A_95 = vector.shape_cast %add3A_90 : vector<16xi32> to vector<1x16xi32>
      tpu.vector_store %arg9[%swap3A_91, %swap3A_92], %swap3A_95 {strides = array<i32>} : memref<80x128xi32, #tpu.memory_space<vmem>>, vector<1x16xi32>,
      %get3A_96 = arith.index_cast %scan3A_61 : i32 to index
      %get3A_97 = arith.constant 48 : index
      %get3A_98 = tpu.vector_load %arg9[%get3A_96, %get3A_97] {strides = array<i32>} : memref<80x128xi32, #tpu.memory_space<vmem>>, vector<1x16xi32>,
      %get3A_99 = vector.shape_cast %get3A_98 : vector<1x16xi32> to vector<16xi32>
      %add3A_100 = arith.addi %get3A_99, %get3A_99 : vector<16xi32>
      %add3A_101 = vector.broadcast %arg0 : i32 to vector<16xi32>
      %add3A_102 = arith.addi %add3A_100, %add3A_101 : vector<16xi32>
      %swap3A_103 = arith.index_cast %scan3A_61 : i32 to index
      %swap3A_104 = arith.constant 48 : index
      %swap3A_105 = tpu.vector_load %arg9[%swap3A_103, %swap3A_104] {strides = array<i32>} : memref<80x128xi32, #tpu.memory_space<vmem>>, vector<1x16xi32>,
      %swap3A_106 = vector.shape_cast %swap3A_105 : vector<1x16xi32> to vector<16xi32>
      %swap3A_107 = vector.shape_cast %add3A_102 : vector<16xi32> to vector<1x16xi32>
      tpu.vector_store %arg9[%swap3A_103, %swap3A_104], %swap3A_107 {strides = array<i32>} : memref<80x128xi32, #tpu.memory_space<vmem>>, vector<1x16xi32>,
      %get3A_108 = arith.index_cast %scan3A_61 : i32 to index
      %get3A_109 = arith.constant 64 : index
      %get3A_110 = tpu.vector_load %arg9[%get3A_108, %get3A_109] {strides = array<i32>} : memref<80x128xi32, #tpu.memory_space<vmem>>, vector<1x16xi32>,
      %get3A_111 = vector.shape_cast %get3A_110 : vector<1x16xi32> to vector<16xi32>
      %add3A_112 = arith.addi %get3A_111, %get3A_111 : vector<16xi32>
      %add3A_113 = vector.broadcast %arg0 : i32 to vector<16xi32>
      %add3A_114 = arith.addi %add3A_112, %add3A_113 : vector<16xi32>
      %swap3A_115 = arith.index_cast %scan3A_61 : i32 to index
      %swap3A_116 = arith.constant 64 : index
      %swap3A_117 = tpu.vector_load %arg9[%swap3A_115, %swap3A_116] {strides = array<i32>} : memref<80x128xi32, #tpu.memory_space<vmem>>, vector<1x16xi32>,
      %swap3A_118 = vector.shape_cast %swap3A_117 : vector<1x16xi32> to vector<16xi32>
      %swap3A_119 = vector.shape_cast %add3A_114 : vector<16xi32> to vector<1x16xi32>
      tpu.vector_store %arg9[%swap3A_115, %swap3A_116], %swap3A_119 {strides = array<i32>} : memref<80x128xi32, #tpu.memory_space<vmem>>, vector<1x16xi32>,
      %get3A_120 = arith.index_cast %scan3A_61 : i32 to index
      %get3A_121 = arith.constant 80 : index
      %get3A_122 = tpu.vector_load %arg9[%get3A_120, %get3A_121] {strides = array<i32>} : memref<80x128xi32, #tpu.memory_space<vmem>>, vector<1x16xi32>,
      %get3A_123 = vector.shape_cast %get3A_122 : vector<1x16xi32> to vector<16xi32>
      %add3A_124 = arith.addi %get3A_123, %get3A_123 : vector<16xi32>
      %add3A_125 = vector.broadcast %arg0 : i32 to vector<16xi32>
      %add3A_126 = arith.addi %add3A_124, %add3A_125 : vector<16xi32>
      %swap3A_127 = arith.index_cast %scan3A_61 : i32 to index
      %swap3A_128 = arith.constant 80 : index
      %swap3A_129 = tpu.vector_load %arg9[%swap3A_127, %swap3A_128] {strides = array<i32>} : memref<80x128xi32, #tpu.memory_space<vmem>>, vector<1x16xi32>,
      %swap3A_130 = vector.shape_cast %swap3A_129 : vector<1x16xi32> to vector<16xi32>
      %swap3A_131 = vector.shape_cast %add3A_126 : vector<16xi32> to vector<1x16xi32>
      tpu.vector_store %arg9[%swap3A_127, %swap3A_128], %swap3A_131 {strides = array<i32>} : memref<80x128xi32, #tpu.memory_space<vmem>>, vector<1x16xi32>,
      %get3A_132 = arith.index_cast %scan3A_61 : i32 to index
      %get3A_133 = arith.constant 96 : index
      %get3A_134 = tpu.vector_load %arg9[%get3A_132, %get3A_133] {strides = array<i32>} : memref<80x128xi32, #tpu.memory_space<vmem>>, vector<1x16xi32>,
      %get3A_135 = vector.shape_cast %get3A_134 : vector<1x16xi32> to vector<16xi32>
      %add3A_136 = arith.addi %get3A_135, %get3A_135 : vector<16xi32>
      %add3A_137 = vector.broadcast %arg0 : i32 to vector<16xi32>
      %add3A_138 = arith.addi %add3A_136, %add3A_137 : vector<16xi32>
      %swap3A_139 = arith.index_cast %scan3A_61 : i32 to index
      %swap3A_140 = arith.constant 96 : index
      %swap3A_141 = tpu.vector_load %arg9[%swap3A_139, %swap3A_140] {strides = array<i32>} : memref<80x128xi32, #tpu.memory_space<vmem>>, vector<1x16xi32>,
      %swap3A_142 = vector.shape_cast %swap3A_141 : vector<1x16xi32> to vector<16xi32>
      %swap3A_143 = vector.shape_cast %add3A_138 : vector<16xi32> to vector<1x16xi32>
      tpu.vector_store %arg9[%swap3A_139, %swap3A_140], %swap3A_143 {strides = array<i32>} : memref<80x128xi32, #tpu.memory_space<vmem>>, vector<1x16xi32>,
      %get3A_144 = arith.index_cast %scan3A_61 : i32 to index
      %get3A_145 = arith.constant 112 : index
      %get3A_146 = tpu.vector_load %arg9[%get3A_144, %get3A_145] {strides = array<i32>} : memref<80x128xi32, #tpu.memory_space<vmem>>, vector<1x16xi32>,
      %get3A_147 = vector.shape_cast %get3A_146 : vector<1x16xi32> to vector<16xi32>
      %add3A_148 = arith.addi %get3A_147, %get3A_147 : vector<16xi32>
      %add3A_149 = vector.broadcast %arg0 : i32 to vector<16xi32>
      %add3A_150 = arith.addi %add3A_148, %add3A_149 : vector<16xi32>
      %swap3A_151 = arith.index_cast %scan3A_61 : i32 to index
      %swap3A_152 = arith.constant 112 : index
      %swap3A_153 = tpu.vector_load %arg9[%swap3A_151, %swap3A_152] {strides = array<i32>} : memref<80x128xi32, #tpu.memory_space<vmem>>, vector<1x16xi32>,
      %swap3A_154 = vector.shape_cast %swap3A_153 : vector<1x16xi32> to vector<16xi32>
      %swap3A_155 = vector.shape_cast %add3A_150 : vector<16xi32> to vector<1x16xi32>
      tpu.vector_store %arg9[%swap3A_151, %swap3A_152], %swap3A_155 {strides = array<i32>} : memref<80x128xi32, #tpu.memory_space<vmem>>, vector<1x16xi32>,
    }
    %scan3A_5 = arith.constant 80 : i32
    %run_scoped3A = arith.constant 0 : i32
    "tpu.region"() ({
      %run_scoped3A_61 = tpu.sem_alloc : memref<!tpu.dma_semaphore, #tpu.memory_space<semaphore_mem>>
      %dma_start3A_62 = arith.constant 0 : i32
      %dma_start3A_63 = arith.constant 0 : i32
      %dma_start3A_64 = tpu.memref_slice %arg11[%run_scoped3A, %dma_start3A_62, %dma_start3A_63] : memref<2x128x128xf32, #tpu.memory_space<vmem>> -> memref<1x128x128xf32, #tpu.memory_space<vmem>>
      %dma_start3A_65 = tpu.memref_squeeze %dma_start3A_64 : memref<1x128x128xf32, #tpu.memory_space<vmem>> -> memref<128x128xf32, #tpu.memory_space<vmem>>
      %dma_start3A_66 = arith.constant 0 : i32
      %dma_start3A_67 = arith.constant 0 : i32
      %dma_start3A_68 = tpu.memref_slice %arg11[%run_scoped3A, %dma_start3A_66, %dma_start3A_67] : memref<2x128x128xf32, #tpu.memory_space<vmem>> -> memref<1x128x128xf32, #tpu.memory_space<vmem>>
      %dma_start3A_69 = tpu.memref_squeeze %dma_start3A_68 : memref<1x128x128xf32, #tpu.memory_space<vmem>> -> memref<128x128xf32, #tpu.memory_space<vmem>>
      tpu.enqueue_dma source(%arg6 : memref<128x128xf32, #tpu.memory_space<hbm>>) target(%dma_start3A_69 : memref<128x128xf32, #tpu.memory_space<vmem>>) target_semaphore(%run_scoped3A_61 : memref<!tpu.dma_semaphore, #tpu.memory_space<semaphore_mem>>)
      %dma_wait3A = arith.constant 0 : i32
      %dma_wait3A_70 = arith.constant 0 : i32
      %dma_wait3A_71 = tpu.memref_slice %arg11[%run_scoped3A, %dma_wait3A, %dma_wait3A_70] : memref<2x128x128xf32, #tpu.memory_space<vmem>> -> memref<1x128x128xf32, #tpu.memory_space<vmem>>
      %dma_wait3A_72 = tpu.memref_squeeze %dma_wait3A_71 : memref<1x128x128xf32, #tpu.memory_space<vmem>> -> memref<128x128xf32, #tpu.memory_space<vmem>>
      %dma_wait3A_73 = arith.constant 0 : i32
      %dma_wait3A_74 = arith.constant 0 : i32
      %dma_wait3A_75 = tpu.memref_slice %arg11[%run_scoped3A, %dma_wait3A_73, %dma_wait3A_74] : memref<2x128x128xf32, #tpu.memory_space<vmem>> -> memref<1x128x128xf32, #tpu.memory_space<vmem>>
      %dma_wait3A_76 = tpu.memref_squeeze %dma_wait3A_75 : memref<1x128x128xf32, #tpu.memory_space<vmem>> -> memref<128x128xf32, #tpu.memory_space<vmem>>
      tpu.wait_dma2 semaphore(%run_scoped3A_61 : memref<!tpu.dma_semaphore, #tpu.memory_space<semaphore_mem>>) src(%arg6 : memref<128x128xf32, #tpu.memory_space<hbm>>) dst(%dma_wait3A_76 : memref<128x128xf32, #tpu.memory_space<vmem>>)
      tpu.yield
    }) : () -> ()
    %mul3A_6 = arith.constant 40 : i32
    %mul3A_7 = arith.muli %arg0, %mul3A_6 : i32
    "tpu.region"() ({
      %run_scoped3A_61 = tpu.sem_alloc : memref<!tpu.dma_semaphore, #tpu.memory_space<semaphore_mem>>
      %dma_start3A_62 = arith.constant 0 : i32
      %dma_start3A_63 = tpu.memref_slice %arg4[%arg1, %mul3A_7, %dma_start3A_62] : memref<16x80x128xi32, #tpu.memory_space<hbm>> -> memref<1x40x128xi32, #tpu.memory_space<hbm>>
      %dma_start3A_64 = tpu.memref_squeeze %dma_start3A_63 : memref<1x40x128xi32, #tpu.memory_space<hbm>> -> memref<40x128xi32, #tpu.memory_space<hbm>>
      %dma_start3A_65 = arith.constant 0 : i32
      %dma_start3A_66 = tpu.memref_slice %arg4[%arg1, %mul3A_7, %dma_start3A_65] : memref<16x80x128xi32, #tpu.memory_space<hbm>> -> memref<1x40x128xi32, #tpu.memory_space<hbm>>
      %dma_start3A_67 = tpu.memref_squeeze %dma_start3A_66 : memref<1x40x128xi32, #tpu.memory_space<hbm>> -> memref<40x128xi32, #tpu.memory_space<hbm>>
      tpu.enqueue_dma source(%dma_start3A_67 : memref<40x128xi32, #tpu.memory_space<hbm>>) target(%arg10 : memref<40x128xi32, #tpu.memory_space<vmem>>) target_semaphore(%run_scoped3A_61 : memref<!tpu.dma_semaphore, #tpu.memory_space<semaphore_mem>>)
      %dma_wait3A = arith.constant 0 : i32
      %dma_wait3A_68 = tpu.memref_slice %arg4[%arg1, %mul3A_7, %dma_wait3A] : memref<16x80x128xi32, #tpu.memory_space<hbm>> -> memref<1x40x128xi32, #tpu.memory_space<hbm>>
      %dma_wait3A_69 = tpu.memref_squeeze %dma_wait3A_68 : memref<1x40x128xi32, #tpu.memory_space<hbm>> -> memref<40x128xi32, #tpu.memory_space<hbm>>
      %dma_wait3A_70 = arith.constant 0 : i32
      %dma_wait3A_71 = tpu.memref_slice %arg4[%arg1, %mul3A_7, %dma_wait3A_70] : memref<16x80x128xi32, #tpu.memory_space<hbm>> -> memref<1x40x128xi32, #tpu.memory_space<hbm>>
      %dma_wait3A_72 = tpu.memref_squeeze %dma_wait3A_71 : memref<1x40x128xi32, #tpu.memory_space<hbm>> -> memref<40x128xi32, #tpu.memory_space<hbm>>
      tpu.wait_dma2 semaphore(%run_scoped3A_61 : memref<!tpu.dma_semaphore, #tpu.memory_space<semaphore_mem>>) src(%dma_wait3A_72 : memref<40x128xi32, #tpu.memory_space<hbm>>) dst(%arg10 : memref<40x128xi32, #tpu.memory_space<vmem>>)
      tpu.yield
    }) : () -> ()
    %barrier3A = arith.constant 0 : index
    tpu.barrier barrier_id(%barrier3A)
    %scan3A_8 = arith.constant 0 : i32
    %scan3A_9 = arith.constant 0 : i32
    %scan3A_10 = arith.constant 40 : i32
    %scan3A_11 = arith.addi %scan3A_9, %scan3A_10 : i32
    %scan3A_12 = arith.constant 1 : i32
    scf.for %scan3A_61 = %scan3A_9 to %scan3A_11 step %scan3A_12  : i32 {
      %run_scoped3A_62 = arith.constant 0 : i32
      "tpu.region"() ({
        %run_scoped3A_63 = tpu.sem_alloc : memref<!tpu.dma_semaphore, #tpu.memory_space<semaphore_mem>>
        %dma_start3A_64 = arith.constant 0 : i32
        %dma_start3A_65 = arith.constant 0 : i32
        %dma_start3A_66 = tpu.memref_slice %arg11[%run_scoped3A_62, %dma_start3A_64, %dma_start3A_65] : memref<2x128x128xf32, #tpu.memory_space<vmem>> -> memref<1x128x128xf32, #tpu.memory_space<vmem>>
        %dma_start3A_67 = tpu.memref_squeeze %dma_start3A_66 : memref<1x128x128xf32, #tpu.memory_space<vmem>> -> memref<128x128xf32, #tpu.memory_space<vmem>>
        %dma_start3A_68 = arith.constant 0 : i32
        %dma_start3A_69 = tpu.memref_slice %arg10[%scan3A_61, %dma_start3A_68] : memref<40x128xi32, #tpu.memory_space<vmem>> -> memref<1x128xi32, #tpu.memory_space<vmem>>
        %dma_start3A_70 = tpu.memref_squeeze %dma_start3A_69 : memref<1x128xi32, #tpu.memory_space<vmem>> -> memref<128xi32, #tpu.memory_space<vmem>>
        %dma_start3A_71 = arith.constant 0 : i32
        %dma_start3A_72 = arith.constant 0 : i32
        %dma_start3A_73 = tpu.memref_slice %arg12[%dma_start3A_71, %dma_start3A_72] : memref<10240x128xf32, #tpu.memory_space<vmem_shared>> -> memref<10240x128xf32, #tpu.memory_space<vmem_shared>>
        tpu.enqueue_indirect_dma source(%dma_start3A_67 : memref<128x128xf32, #tpu.memory_space<vmem>>) target(%dma_start3A_73 : memref<10240x128xf32, #tpu.memory_space<vmem_shared>>) offsets(%dma_start3A_70 : memref<128xi32, #tpu.memory_space<vmem>>) semaphore(%run_scoped3A_63 : memref<!tpu.dma_semaphore, #tpu.memory_space<semaphore_mem>>) {add = true}
        %dma_wait3A = arith.constant 0 : i32
        %dma_wait3A_74 = arith.constant 0 : i32
        %dma_wait3A_75 = tpu.memref_slice %arg11[%run_scoped3A_62, %dma_wait3A, %dma_wait3A_74] : memref<2x128x128xf32, #tpu.memory_space<vmem>> -> memref<1x128x128xf32, #tpu.memory_space<vmem>>
        %dma_wait3A_76 = tpu.memref_squeeze %dma_wait3A_75 : memref<1x128x128xf32, #tpu.memory_space<vmem>> -> memref<128x128xf32, #tpu.memory_space<vmem>>
        %dma_wait3A_77 = arith.constant 0 : i32
        %dma_wait3A_78 = tpu.memref_slice %arg10[%scan3A_61, %dma_wait3A_77] : memref<40x128xi32, #tpu.memory_space<vmem>> -> memref<1x128xi32, #tpu.memory_space<vmem>>
        %dma_wait3A_79 = tpu.memref_squeeze %dma_wait3A_78 : memref<1x128xi32, #tpu.memory_space<vmem>> -> memref<128xi32, #tpu.memory_space<vmem>>
        %dma_wait3A_80 = arith.constant 0 : i32
        %dma_wait3A_81 = arith.constant 0 : i32
        %dma_wait3A_82 = tpu.memref_slice %arg12[%dma_wait3A_80, %dma_wait3A_81] : memref<10240x128xf32, #tpu.memory_space<vmem_shared>> -> memref<10240x128xf32, #tpu.memory_space<vmem_shared>>
        tpu.wait_indirect_dma semaphore(%run_scoped3A_63 : memref<!tpu.dma_semaphore, #tpu.memory_space<semaphore_mem>>) src(%dma_wait3A_76 : memref<128x128xf32, #tpu.memory_space<vmem>>) dst(%dma_wait3A_82 : memref<10240x128xf32, #tpu.memory_space<vmem_shared>>)
        tpu.yield
      }) : () -> ()
    }
    %scan3A_13 = arith.constant 40 : i32
    %barrier3A_14 = arith.constant 0 : index
    tpu.barrier barrier_id(%barrier3A_14)
    %mul3A_15 = arith.constant 640 : i32
    %mul3A_16 = arith.muli %arg1, %mul3A_15 : i32
    %mul3A_17 = arith.constant 10240 : i32
    %mul3A_18 = arith.muli %arg0, %mul3A_17 : i32
    %add3A = arith.addi %mul3A_18, %mul3A_16 : i32
    "tpu.region"() ({
      %run_scoped3A_61 = tpu.sem_alloc : memref<!tpu.dma_semaphore, #tpu.memory_space<semaphore_mem>>
      %dma_start3A_62 = arith.constant 0 : i32
      %dma_start3A_63 = tpu.memref_slice %arg8[%add3A, %dma_start3A_62] : memref<20480x128xf32, #tpu.memory_space<hbm>> -> memref<640x128xf32, #tpu.memory_space<hbm>>
      %dma_start3A_64 = arith.constant 0 : i32
      %dma_start3A_65 = tpu.memref_slice %arg12[%mul3A_16, %dma_start3A_64] : memref<10240x128xf32, #tpu.memory_space<vmem_shared>> -> memref<640x128xf32, #tpu.memory_space<vmem_shared>>
      tpu.enqueue_dma source(%dma_start3A_65 : memref<640x128xf32, #tpu.memory_space<vmem_shared>>) target(%dma_start3A_63 : memref<640x128xf32, #tpu.memory_space<hbm>>) target_semaphore(%run_scoped3A_61 : memref<!tpu.dma_semaphore, #tpu.memory_space<semaphore_mem>>)
      %dma_wait3A = arith.constant 0 : i32
      %dma_wait3A_66 = tpu.memref_slice %arg8[%add3A, %dma_wait3A] : memref<20480x128xf32, #tpu.memory_space<hbm>> -> memref<640x128xf32, #tpu.memory_space<hbm>>
      %dma_wait3A_67 = arith.constant 0 : i32
      %dma_wait3A_68 = tpu.memref_slice %arg12[%mul3A_16, %dma_wait3A_67] : memref<10240x128xf32, #tpu.memory_space<vmem_shared>> -> memref<640x128xf32, #tpu.memory_space<vmem_shared>>
      tpu.wait_dma2 semaphore(%run_scoped3A_61 : memref<!tpu.dma_semaphore, #tpu.memory_space<semaphore_mem>>) src(%dma_wait3A_68 : memref<640x128xf32, #tpu.memory_space<vmem_shared>>) dst(%dma_wait3A_66 : memref<640x128xf32, #tpu.memory_space<hbm>>)
      tpu.yield
    }) : () -> ()
    "tpu.region"() ({
      %run_scoped3A_61 = tpu.sem_alloc : memref<!tpu.dma_semaphore, #tpu.memory_space<semaphore_mem>>
      %dma_start3A_62 = arith.constant 0 : i32
      %dma_start3A_63 = tpu.memref_slice %arg12[%mul3A_16, %dma_start3A_62] : memref<10240x128xf32, #tpu.memory_space<vmem_shared>> -> memref<640x128xf32, #tpu.memory_space<vmem_shared>>
      %dma_start3A_64 = arith.constant 0 : i32
      %dma_start3A_65 = tpu.memref_slice %arg5[%mul3A_16, %dma_start3A_64] : memref<10240x128xf32, #tpu.memory_space<hbm>> -> memref<640x128xf32, #tpu.memory_space<hbm>>
      tpu.enqueue_dma source(%dma_start3A_65 : memref<640x128xf32, #tpu.memory_space<hbm>>) target(%dma_start3A_63 : memref<640x128xf32, #tpu.memory_space<vmem_shared>>) target_semaphore(%run_scoped3A_61 : memref<!tpu.dma_semaphore, #tpu.memory_space<semaphore_mem>>)
      %dma_wait3A = arith.constant 0 : i32
      %dma_wait3A_66 = tpu.memref_slice %arg12[%mul3A_16, %dma_wait3A] : memref<10240x128xf32, #tpu.memory_space<vmem_shared>> -> memref<640x128xf32, #tpu.memory_space<vmem_shared>>
      %dma_wait3A_67 = arith.constant 0 : i32
      %dma_wait3A_68 = tpu.memref_slice %arg5[%mul3A_16, %dma_wait3A_67] : memref<10240x128xf32, #tpu.memory_space<hbm>> -> memref<640x128xf32, #tpu.memory_space<hbm>>
      tpu.wait_dma2 semaphore(%run_scoped3A_61 : memref<!tpu.dma_semaphore, #tpu.memory_space<semaphore_mem>>) src(%dma_wait3A_68 : memref<640x128xf32, #tpu.memory_space<hbm>>) dst(%dma_wait3A_66 : memref<640x128xf32, #tpu.memory_space<vmem_shared>>)
      tpu.yield
    }) : () -> ()
    %barrier3A_19 = arith.constant 0 : index
    tpu.barrier barrier_id(%barrier3A_19)
    %dma_start3A = arith.constant 0 : i32
    %dma_start3A_20 = arith.constant 0 : i32
    %dma_start3A_21 = arith.constant 0 : i32
    %dma_start3A_22 = arith.constant 0 : i32
    %dma_start3A_23 = tpu.memref_slice %arg11[%dma_start3A_20, %dma_start3A_21, %dma_start3A_22] : memref<2x128x128xf32, #tpu.memory_space<vmem>> -> memref<1x128x128xf32, #tpu.memory_space<vmem>>
    %dma_start3A_24 = tpu.memref_squeeze %dma_start3A_23 : memref<1x128x128xf32, #tpu.memory_space<vmem>> -> memref<128x128xf32, #tpu.memory_space<vmem>>
    %dma_start3A_25 = arith.constant 0 : i32
    %dma_start3A_26 = tpu.memref_slice %arg9[%dma_start3A, %dma_start3A_25] : memref<80x128xi32, #tpu.memory_space<vmem>> -> memref<1x128xi32, #tpu.memory_space<vmem>>
    %dma_start3A_27 = tpu.memref_squeeze %dma_start3A_26 : memref<1x128xi32, #tpu.memory_space<vmem>> -> memref<128xi32, #tpu.memory_space<vmem>>
    %dma_start3A_28 = arith.constant 0 : i32
    %dma_start3A_29 = arith.constant 0 : i32
    %dma_start3A_30 = tpu.memref_slice %arg2[%dma_start3A_28, %dma_start3A_29] : memref<20480x128xf32, #tpu.memory_space<hbm>> -> memref<20480x128xf32, #tpu.memory_space<hbm>>
    tpu.enqueue_indirect_dma source(%dma_start3A_30 : memref<20480x128xf32, #tpu.memory_space<hbm>>) target(%dma_start3A_24 : memref<128x128xf32, #tpu.memory_space<vmem>>) offsets(%dma_start3A_27 : memref<128xi32, #tpu.memory_space<vmem>>) semaphore(%arg13 : memref<!tpu.dma_semaphore, #tpu.memory_space<semaphore_mem>>)
    %dma_start3A_31 = arith.constant 1 : i32
    %dma_start3A_32 = arith.constant 1 : i32
    %dma_start3A_33 = arith.constant 0 : i32
    %dma_start3A_34 = arith.constant 0 : i32
    %dma_start3A_35 = tpu.memref_slice %arg11[%dma_start3A_32, %dma_start3A_33, %dma_start3A_34] : memref<2x128x128xf32, #tpu.memory_space<vmem>> -> memref<1x128x128xf32, #tpu.memory_space<vmem>>
    %dma_start3A_36 = tpu.memref_squeeze %dma_start3A_35 : memref<1x128x128xf32, #tpu.memory_space<vmem>> -> memref<128x128xf32, #tpu.memory_space<vmem>>
    %dma_start3A_37 = arith.constant 0 : i32
    %dma_start3A_38 = tpu.memref_slice %arg9[%dma_start3A_31, %dma_start3A_37] : memref<80x128xi32, #tpu.memory_space<vmem>> -> memref<1x128xi32, #tpu.memory_space<vmem>>
    %dma_start3A_39 = tpu.memref_squeeze %dma_start3A_38 : memref<1x128xi32, #tpu.memory_space<vmem>> -> memref<128xi32, #tpu.memory_space<vmem>>
    %dma_start3A_40 = arith.constant 0 : i32
    %dma_start3A_41 = arith.constant 0 : i32
    %dma_start3A_42 = tpu.memref_slice %arg2[%dma_start3A_40, %dma_start3A_41] : memref<20480x128xf32, #tpu.memory_space<hbm>> -> memref<20480x128xf32, #tpu.memory_space<hbm>>
    tpu.enqueue_indirect_dma source(%dma_start3A_42 : memref<20480x128xf32, #tpu.memory_space<hbm>>) target(%dma_start3A_36 : memref<128x128xf32, #tpu.memory_space<vmem>>) offsets(%dma_start3A_39 : memref<128xi32, #tpu.memory_space<vmem>>) semaphore(%arg13 : memref<!tpu.dma_semaphore, #tpu.memory_space<semaphore_mem>>)
    "tpu.region"() ({
      %run_scoped3A_61 = tpu.sem_alloc : memref<!tpu.dma_semaphore, #tpu.memory_space<semaphore_mem>>
      %dma_start3A_62 = arith.constant 0 : i32
      %dma_start3A_63 = arith.constant 0 : i32
      %dma_start3A_64 = tpu.memref_slice %arg4[%arg1, %dma_start3A_62, %dma_start3A_63] : memref<16x80x128xi32, #tpu.memory_space<hbm>> -> memref<1x40x128xi32, #tpu.memory_space<hbm>>
      %dma_start3A_65 = tpu.memref_squeeze %dma_start3A_64 : memref<1x40x128xi32, #tpu.memory_space<hbm>> -> memref<40x128xi32, #tpu.memory_space<hbm>>
      %dma_start3A_66 = arith.constant 0 : i32
      %dma_start3A_67 = arith.constant 0 : i32
      %dma_start3A_68 = tpu.memref_slice %arg4[%arg1, %dma_start3A_66, %dma_start3A_67] : memref<16x80x128xi32, #tpu.memory_space<hbm>> -> memref<1x40x128xi32, #tpu.memory_space<hbm>>
      %dma_start3A_69 = tpu.memref_squeeze %dma_start3A_68 : memref<1x40x128xi32, #tpu.memory_space<hbm>> -> memref<40x128xi32, #tpu.memory_space<hbm>>
      tpu.enqueue_dma source(%dma_start3A_69 : memref<40x128xi32, #tpu.memory_space<hbm>>) target(%arg10 : memref<40x128xi32, #tpu.memory_space<vmem>>) target_semaphore(%run_scoped3A_61 : memref<!tpu.dma_semaphore, #tpu.memory_space<semaphore_mem>>)
      %dma_wait3A = arith.constant 0 : i32
      %dma_wait3A_70 = arith.constant 0 : i32
      %dma_wait3A_71 = tpu.memref_slice %arg4[%arg1, %dma_wait3A, %dma_wait3A_70] : memref<16x80x128xi32, #tpu.memory_space<hbm>> -> memref<1x40x128xi32, #tpu.memory_space<hbm>>
      %dma_wait3A_72 = tpu.memref_squeeze %dma_wait3A_71 : memref<1x40x128xi32, #tpu.memory_space<hbm>> -> memref<40x128xi32, #tpu.memory_space<hbm>>
      %dma_wait3A_73 = arith.constant 0 : i32
      %dma_wait3A_74 = arith.constant 0 : i32
      %dma_wait3A_75 = tpu.memref_slice %arg4[%arg1, %dma_wait3A_73, %dma_wait3A_74] : memref<16x80x128xi32, #tpu.memory_space<hbm>> -> memref<1x40x128xi32, #tpu.memory_space<hbm>>
      %dma_wait3A_76 = tpu.memref_squeeze %dma_wait3A_75 : memref<1x40x128xi32, #tpu.memory_space<hbm>> -> memref<40x128xi32, #tpu.memory_space<hbm>>
      tpu.wait_dma2 semaphore(%run_scoped3A_61 : memref<!tpu.dma_semaphore, #tpu.memory_space<semaphore_mem>>) src(%dma_wait3A_76 : memref<40x128xi32, #tpu.memory_space<hbm>>) dst(%arg10 : memref<40x128xi32, #tpu.memory_space<vmem>>)
      tpu.yield
    }) : () -> ()
    %scan3A_43 = arith.constant 0 : i32
    %scan3A_44 = arith.constant 0 : i32
    %scan3A_45 = arith.constant 20 : i32
    %scan3A_46 = arith.addi %scan3A_44, %scan3A_45 : i32
    %scan3A_47 = arith.constant 1 : i32
    scf.for %scan3A_61 = %scan3A_44 to %scan3A_46 step %scan3A_47  : i32 {
      %mul3A_62 = arith.constant 2 : i32
      %mul3A_63 = arith.muli %mul3A_62, %scan3A_61 : i32
      %add3A_64 = arith.constant 0 : i32
      %add3A_65 = arith.addi %mul3A_63, %add3A_64 : i32
      %add3A_66 = arith.constant 0 : i32
      %add3A_67 = arith.addi %add3A_66, %add3A_65 : i32
      %dma_wait3A = arith.constant 0 : i32
      %dma_wait3A_68 = arith.constant 0 : i32
      %dma_wait3A_69 = arith.constant 0 : i32
      %dma_wait3A_70 = arith.constant 0 : i32
      %dma_wait3A_71 = tpu.memref_slice %arg11[%dma_wait3A_68, %dma_wait3A_69, %dma_wait3A_70] : memref<2x128x128xf32, #tpu.memory_space<vmem>> -> memref<1x128x128xf32, #tpu.memory_space<vmem>>
      %dma_wait3A_72 = tpu.memref_squeeze %dma_wait3A_71 : memref<1x128x128xf32, #tpu.memory_space<vmem>> -> memref<128x128xf32, #tpu.memory_space<vmem>>
      %dma_wait3A_73 = arith.constant 0 : i32
      %dma_wait3A_74 = tpu.memref_slice %arg9[%dma_wait3A, %dma_wait3A_73] : memref<80x128xi32, #tpu.memory_space<vmem>> -> memref<1x128xi32, #tpu.memory_space<vmem>>
      %dma_wait3A_75 = tpu.memref_squeeze %dma_wait3A_74 : memref<1x128xi32, #tpu.memory_space<vmem>> -> memref<128xi32, #tpu.memory_space<vmem>>
      %dma_wait3A_76 = arith.constant 0 : i32
      %dma_wait3A_77 = arith.constant 0 : i32
      %dma_wait3A_78 = tpu.memref_slice %arg2[%dma_wait3A_76, %dma_wait3A_77] : memref<20480x128xf32, #tpu.memory_space<hbm>> -> memref<20480x128xf32, #tpu.memory_space<hbm>>
      tpu.wait_indirect_dma semaphore(%arg13 : memref<!tpu.dma_semaphore, #tpu.memory_space<semaphore_mem>>) src(%dma_wait3A_78 : memref<20480x128xf32, #tpu.memory_space<hbm>>) dst(%dma_wait3A_72 : memref<128x128xf32, #tpu.memory_space<vmem>>)
      %run_scoped3A_79 = arith.constant 0 : i32
      "tpu.region"() ({
        %run_scoped3A_110 = tpu.sem_alloc : memref<!tpu.dma_semaphore, #tpu.memory_space<semaphore_mem>>
        %dma_start3A_111 = arith.constant 0 : i32
        %dma_start3A_112 = arith.constant 0 : i32
        %dma_start3A_113 = tpu.memref_slice %arg11[%run_scoped3A_79, %dma_start3A_111, %dma_start3A_112] : memref<2x128x128xf32, #tpu.memory_space<vmem>> -> memref<1x128x128xf32, #tpu.memory_space<vmem>>
        %dma_start3A_114 = tpu.memref_squeeze %dma_start3A_113 : memref<1x128x128xf32, #tpu.memory_space<vmem>> -> memref<128x128xf32, #tpu.memory_space<vmem>>
        %dma_start3A_115 = arith.constant 0 : i32
        %dma_start3A_116 = tpu.memref_slice %arg10[%add3A_65, %dma_start3A_115] : memref<40x128xi32, #tpu.memory_space<vmem>> -> memref<1x128xi32, #tpu.memory_space<vmem>>
        %dma_start3A_117 = tpu.memref_squeeze %dma_start3A_116 : memref<1x128xi32, #tpu.memory_space<vmem>> -> memref<128xi32, #tpu.memory_space<vmem>>
        %dma_start3A_118 = arith.constant 0 : i32
        %dma_start3A_119 = arith.constant 0 : i32
        %dma_start3A_120 = tpu.memref_slice %arg12[%dma_start3A_118, %dma_start3A_119] : memref<10240x128xf32, #tpu.memory_space<vmem_shared>> -> memref<10240x128xf32, #tpu.memory_space<vmem_shared>>
        tpu.enqueue_indirect_dma source(%dma_start3A_114 : memref<128x128xf32, #tpu.memory_space<vmem>>) target(%dma_start3A_120 : memref<10240x128xf32, #tpu.memory_space<vmem_shared>>) offsets(%dma_start3A_117 : memref<128xi32, #tpu.memory_space<vmem>>) semaphore(%run_scoped3A_110 : memref<!tpu.dma_semaphore, #tpu.memory_space<semaphore_mem>>) {add = true}
        %dma_wait3A_121 = arith.constant 0 : i32
        %dma_wait3A_122 = arith.constant 0 : i32
        %dma_wait3A_123 = tpu.memref_slice %arg11[%run_scoped3A_79, %dma_wait3A_121, %dma_wait3A_122] : memref<2x128x128xf32, #tpu.memory_space<vmem>> -> memref<1x128x128xf32, #tpu.memory_space<vmem>>
        %dma_wait3A_124 = tpu.memref_squeeze %dma_wait3A_123 : memref<1x128x128xf32, #tpu.memory_space<vmem>> -> memref<128x128xf32, #tpu.memory_space<vmem>>
        %dma_wait3A_125 = arith.constant 0 : i32
        %dma_wait3A_126 = tpu.memref_slice %arg10[%add3A_65, %dma_wait3A_125] : memref<40x128xi32, #tpu.memory_space<vmem>> -> memref<1x128xi32, #tpu.memory_space<vmem>>
        %dma_wait3A_127 = tpu.memref_squeeze %dma_wait3A_126 : memref<1x128xi32, #tpu.memory_space<vmem>> -> memref<128xi32, #tpu.memory_space<vmem>>
        %dma_wait3A_128 = arith.constant 0 : i32
        %dma_wait3A_129 = arith.constant 0 : i32
        %dma_wait3A_130 = tpu.memref_slice %arg12[%dma_wait3A_128, %dma_wait3A_129] : memref<10240x128xf32, #tpu.memory_space<vmem_shared>> -> memref<10240x128xf32, #tpu.memory_space<vmem_shared>>
        tpu.wait_indirect_dma semaphore(%run_scoped3A_110 : memref<!tpu.dma_semaphore, #tpu.memory_space<semaphore_mem>>) src(%dma_wait3A_124 : memref<128x128xf32, #tpu.memory_space<vmem>>) dst(%dma_wait3A_130 : memref<10240x128xf32, #tpu.memory_space<vmem_shared>>)
        tpu.yield
      }) : () -> ()
      %add3A_80 = arith.constant 2 : i32
      %add3A_81 = arith.addi %add3A_67, %add3A_80 : i32
      %lt3A = arith.constant 80 : i32
      %lt3A_82 = arith.cmpi slt, %add3A_81, %lt3A : i32
      %convert_element_type3A = arith.extui %lt3A_82 : i1 to i32
      %cond3A = arith.constant 0 : i32
      %cond3A_83 = arith.cmpi ne, %convert_element_type3A, %cond3A : i32
      scf.if %cond3A_83 {
        %add3A_110 = arith.constant 2 : i32
        %add3A_111 = arith.addi %add3A_67, %add3A_110 : i32
        %dma_start3A_112 = arith.constant 0 : i32
        %dma_start3A_113 = arith.constant 0 : i32
        %dma_start3A_114 = arith.constant 0 : i32
        %dma_start3A_115 = tpu.memref_slice %arg11[%dma_start3A_112, %dma_start3A_113, %dma_start3A_114] : memref<2x128x128xf32, #tpu.memory_space<vmem>> -> memref<1x128x128xf32, #tpu.memory_space<vmem>>
        %dma_start3A_116 = tpu.memref_squeeze %dma_start3A_115 : memref<1x128x128xf32, #tpu.memory_space<vmem>> -> memref<128x128xf32, #tpu.memory_space<vmem>>
        %dma_start3A_117 = arith.constant 0 : i32
        %dma_start3A_118 = tpu.memref_slice %arg9[%add3A_111, %dma_start3A_117] : memref<80x128xi32, #tpu.memory_space<vmem>> -> memref<1x128xi32, #tpu.memory_space<vmem>>
        %dma_start3A_119 = tpu.memref_squeeze %dma_start3A_118 : memref<1x128xi32, #tpu.memory_space<vmem>> -> memref<128xi32, #tpu.memory_space<vmem>>
        %dma_start3A_120 = arith.constant 0 : i32
        %dma_start3A_121 = arith.constant 0 : i32
        %dma_start3A_122 = tpu.memref_slice %arg2[%dma_start3A_120, %dma_start3A_121] : memref<20480x128xf32, #tpu.memory_space<hbm>> -> memref<20480x128xf32, #tpu.memory_space<hbm>>
        tpu.enqueue_indirect_dma source(%dma_start3A_122 : memref<20480x128xf32, #tpu.memory_space<hbm>>) target(%dma_start3A_116 : memref<128x128xf32, #tpu.memory_space<vmem>>) offsets(%dma_start3A_119 : memref<128xi32, #tpu.memory_space<vmem>>) semaphore(%arg13 : memref<!tpu.dma_semaphore, #tpu.memory_space<semaphore_mem>>)
      } else {
      }
      %mul3A_84 = arith.constant 2 : i32
      %mul3A_85 = arith.muli %mul3A_84, %scan3A_61 : i32
      %add3A_86 = arith.constant 1 : i32
      %add3A_87 = arith.addi %mul3A_85, %add3A_86 : i32
      %add3A_88 = arith.constant 0 : i32
      %add3A_89 = arith.addi %add3A_88, %add3A_87 : i32
      %dma_wait3A_90 = arith.constant 0 : i32
      %dma_wait3A_91 = arith.constant 1 : i32
      %dma_wait3A_92 = arith.constant 0 : i32
      %dma_wait3A_93 = arith.constant 0 : i32
      %dma_wait3A_94 = tpu.memref_slice %arg11[%dma_wait3A_91, %dma_wait3A_92, %dma_wait3A_93] : memref<2x128x128xf32, #tpu.memory_space<vmem>> -> memref<1x128x128xf32, #tpu.memory_space<vmem>>
      %dma_wait3A_95 = tpu.memref_squeeze %dma_wait3A_94 : memref<1x128x128xf32, #tpu.memory_space<vmem>> -> memref<128x128xf32, #tpu.memory_space<vmem>>
      %dma_wait3A_96 = arith.constant 0 : i32
      %dma_wait3A_97 = tpu.memref_slice %arg9[%dma_wait3A_90, %dma_wait3A_96] : memref<80x128xi32, #tpu.memory_space<vmem>> -> memref<1x128xi32, #tpu.memory_space<vmem>>
      %dma_wait3A_98 = tpu.memref_squeeze %dma_wait3A_97 : memref<1x128xi32, #tpu.memory_space<vmem>> -> memref<128xi32, #tpu.memory_space<vmem>>
      %dma_wait3A_99 = arith.constant 0 : i32
      %dma_wait3A_100 = arith.constant 0 : i32
      %dma_wait3A_101 = tpu.memref_slice %arg2[%dma_wait3A_99, %dma_wait3A_100] : memref<20480x128xf32, #tpu.memory_space<hbm>> -> memref<20480x128xf32, #tpu.memory_space<hbm>>
      tpu.wait_indirect_dma semaphore(%arg13 : memref<!tpu.dma_semaphore, #tpu.memory_space<semaphore_mem>>) src(%dma_wait3A_101 : memref<20480x128xf32, #tpu.memory_space<hbm>>) dst(%dma_wait3A_95 : memref<128x128xf32, #tpu.memory_space<vmem>>)
      %run_scoped3A_102 = arith.constant 1 : i32
      "tpu.region"() ({
        %run_scoped3A_110 = tpu.sem_alloc : memref<!tpu.dma_semaphore, #tpu.memory_space<semaphore_mem>>
        %dma_start3A_111 = arith.constant 0 : i32
        %dma_start3A_112 = arith.constant 0 : i32
        %dma_start3A_113 = tpu.memref_slice %arg11[%run_scoped3A_102, %dma_start3A_111, %dma_start3A_112] : memref<2x128x128xf32, #tpu.memory_space<vmem>> -> memref<1x128x128xf32, #tpu.memory_space<vmem>>
        %dma_start3A_114 = tpu.memref_squeeze %dma_start3A_113 : memref<1x128x128xf32, #tpu.memory_space<vmem>> -> memref<128x128xf32, #tpu.memory_space<vmem>>
        %dma_start3A_115 = arith.constant 0 : i32
        %dma_start3A_116 = tpu.memref_slice %arg10[%add3A_87, %dma_start3A_115] : memref<40x128xi32, #tpu.memory_space<vmem>> -> memref<1x128xi32, #tpu.memory_space<vmem>>
        %dma_start3A_117 = tpu.memref_squeeze %dma_start3A_116 : memref<1x128xi32, #tpu.memory_space<vmem>> -> memref<128xi32, #tpu.memory_space<vmem>>
        %dma_start3A_118 = arith.constant 0 : i32
        %dma_start3A_119 = arith.constant 0 : i32
        %dma_start3A_120 = tpu.memref_slice %arg12[%dma_start3A_118, %dma_start3A_119] : memref<10240x128xf32, #tpu.memory_space<vmem_shared>> -> memref<10240x128xf32, #tpu.memory_space<vmem_shared>>
        tpu.enqueue_indirect_dma source(%dma_start3A_114 : memref<128x128xf32, #tpu.memory_space<vmem>>) target(%dma_start3A_120 : memref<10240x128xf32, #tpu.memory_space<vmem_shared>>) offsets(%dma_start3A_117 : memref<128xi32, #tpu.memory_space<vmem>>) semaphore(%run_scoped3A_110 : memref<!tpu.dma_semaphore, #tpu.memory_space<semaphore_mem>>) {add = true}
        %dma_wait3A_121 = arith.constant 0 : i32
        %dma_wait3A_122 = arith.constant 0 : i32
        %dma_wait3A_123 = tpu.memref_slice %arg11[%run_scoped3A_102, %dma_wait3A_121, %dma_wait3A_122] : memref<2x128x128xf32, #tpu.memory_space<vmem>> -> memref<1x128x128xf32, #tpu.memory_space<vmem>>
        %dma_wait3A_124 = tpu.memref_squeeze %dma_wait3A_123 : memref<1x128x128xf32, #tpu.memory_space<vmem>> -> memref<128x128xf32, #tpu.memory_space<vmem>>
        %dma_wait3A_125 = arith.constant 0 : i32
        %dma_wait3A_126 = tpu.memref_slice %arg10[%add3A_87, %dma_wait3A_125] : memref<40x128xi32, #tpu.memory_space<vmem>> -> memref<1x128xi32, #tpu.memory_space<vmem>>
        %dma_wait3A_127 = tpu.memref_squeeze %dma_wait3A_126 : memref<1x128xi32, #tpu.memory_space<vmem>> -> memref<128xi32, #tpu.memory_space<vmem>>
        %dma_wait3A_128 = arith.constant 0 : i32
        %dma_wait3A_129 = arith.constant 0 : i32
        %dma_wait3A_130 = tpu.memref_slice %arg12[%dma_wait3A_128, %dma_wait3A_129] : memref<10240x128xf32, #tpu.memory_space<vmem_shared>> -> memref<10240x128xf32, #tpu.memory_space<vmem_shared>>
        tpu.wait_indirect_dma semaphore(%run_scoped3A_110 : memref<!tpu.dma_semaphore, #tpu.memory_space<semaphore_mem>>) src(%dma_wait3A_124 : memref<128x128xf32, #tpu.memory_space<vmem>>) dst(%dma_wait3A_130 : memref<10240x128xf32, #tpu.memory_space<vmem_shared>>)
        tpu.yield
      }) : () -> ()
      %add3A_103 = arith.constant 2 : i32
      %add3A_104 = arith.addi %add3A_89, %add3A_103 : i32
      %lt3A_105 = arith.constant 80 : i32
      %lt3A_106 = arith.cmpi slt, %add3A_104, %lt3A_105 : i32
      %convert_element_type3A_107 = arith.extui %lt3A_106 : i1 to i32
      %cond3A_108 = arith.constant 0 : i32
      %cond3A_109 = arith.cmpi ne, %convert_element_type3A_107, %cond3A_108 : i32
      scf.if %cond3A_109 {
        %add3A_110 = arith.constant 2 : i32
        %add3A_111 = arith.addi %add3A_89, %add3A_110 : i32
        %dma_start3A_112 = arith.constant 1 : i32
        %dma_start3A_113 = arith.constant 0 : i32
        %dma_start3A_114 = arith.constant 0 : i32
        %dma_start3A_115 = tpu.memref_slice %arg11[%dma_start3A_112, %dma_start3A_113, %dma_start3A_114] : memref<2x128x128xf32, #tpu.memory_space<vmem>> -> memref<1x128x128xf32, #tpu.memory_space<vmem>>
        %dma_start3A_116 = tpu.memref_squeeze %dma_start3A_115 : memref<1x128x128xf32, #tpu.memory_space<vmem>> -> memref<128x128xf32, #tpu.memory_space<vmem>>
        %dma_start3A_117 = arith.constant 0 : i32
        %dma_start3A_118 = tpu.memref_slice %arg9[%add3A_111, %dma_start3A_117] : memref<80x128xi32, #tpu.memory_space<vmem>> -> memref<1x128xi32, #tpu.memory_space<vmem>>
        %dma_start3A_119 = tpu.memref_squeeze %dma_start3A_118 : memref<1x128xi32, #tpu.memory_space<vmem>> -> memref<128xi32, #tpu.memory_space<vmem>>
        %dma_start3A_120 = arith.constant 0 : i32
        %dma_start3A_121 = arith.constant 0 : i32
        %dma_start3A_122 = tpu.memref_slice %arg2[%dma_start3A_120, %dma_start3A_121] : memref<20480x128xf32, #tpu.memory_space<hbm>> -> memref<20480x128xf32, #tpu.memory_space<hbm>>
        tpu.enqueue_indirect_dma source(%dma_start3A_122 : memref<20480x128xf32, #tpu.memory_space<hbm>>) target(%dma_start3A_116 : memref<128x128xf32, #tpu.memory_space<vmem>>) offsets(%dma_start3A_119 : memref<128xi32, #tpu.memory_space<vmem>>) semaphore(%arg13 : memref<!tpu.dma_semaphore, #tpu.memory_space<semaphore_mem>>)
      } else {
      }
    }
    %scan3A_48 = arith.constant 20 : i32
    "tpu.region"() ({
      %run_scoped3A_61 = tpu.sem_alloc : memref<!tpu.dma_semaphore, #tpu.memory_space<semaphore_mem>>
      %dma_start3A_62 = arith.constant 40 : i32
      %dma_start3A_63 = arith.constant 0 : i32
      %dma_start3A_64 = tpu.memref_slice %arg4[%arg1, %dma_start3A_62, %dma_start3A_63] : memref<16x80x128xi32, #tpu.memory_space<hbm>> -> memref<1x40x128xi32, #tpu.memory_space<hbm>>
      %dma_start3A_65 = tpu.memref_squeeze %dma_start3A_64 : memref<1x40x128xi32, #tpu.memory_space<hbm>> -> memref<40x128xi32, #tpu.memory_space<hbm>>
      %dma_start3A_66 = arith.constant 40 : i32
      %dma_start3A_67 = arith.constant 0 : i32
      %dma_start3A_68 = tpu.memref_slice %arg4[%arg1, %dma_start3A_66, %dma_start3A_67] : memref<16x80x128xi32, #tpu.memory_space<hbm>> -> memref<1x40x128xi32, #tpu.memory_space<hbm>>
      %dma_start3A_69 = tpu.memref_squeeze %dma_start3A_68 : memref<1x40x128xi32, #tpu.memory_space<hbm>> -> memref<40x128xi32, #tpu.memory_space<hbm>>
      tpu.enqueue_dma source(%dma_start3A_69 : memref<40x128xi32, #tpu.memory_space<hbm>>) target(%arg10 : memref<40x128xi32, #tpu.memory_space<vmem>>) target_semaphore(%run_scoped3A_61 : memref<!tpu.dma_semaphore, #tpu.memory_space<semaphore_mem>>)
      %dma_wait3A = arith.constant 40 : i32
      %dma_wait3A_70 = arith.constant 0 : i32
      %dma_wait3A_71 = tpu.memref_slice %arg4[%arg1, %dma_wait3A, %dma_wait3A_70] : memref<16x80x128xi32, #tpu.memory_space<hbm>> -> memref<1x40x128xi32, #tpu.memory_space<hbm>>
      %dma_wait3A_72 = tpu.memref_squeeze %dma_wait3A_71 : memref<1x40x128xi32, #tpu.memory_space<hbm>> -> memref<40x128xi32, #tpu.memory_space<hbm>>
      %dma_wait3A_73 = arith.constant 40 : i32
      %dma_wait3A_74 = arith.constant 0 : i32
      %dma_wait3A_75 = tpu.memref_slice %arg4[%arg1, %dma_wait3A_73, %dma_wait3A_74] : memref<16x80x128xi32, #tpu.memory_space<hbm>> -> memref<1x40x128xi32, #tpu.memory_space<hbm>>
      %dma_wait3A_76 = tpu.memref_squeeze %dma_wait3A_75 : memref<1x40x128xi32, #tpu.memory_space<hbm>> -> memref<40x128xi32, #tpu.memory_space<hbm>>
      tpu.wait_dma2 semaphore(%run_scoped3A_61 : memref<!tpu.dma_semaphore, #tpu.memory_space<semaphore_mem>>) src(%dma_wait3A_76 : memref<40x128xi32, #tpu.memory_space<hbm>>) dst(%arg10 : memref<40x128xi32, #tpu.memory_space<vmem>>)
      tpu.yield
    }) : () -> ()
    %scan3A_49 = arith.constant 0 : i32
    %scan3A_50 = arith.constant 0 : i32
    %scan3A_51 = arith.constant 20 : i32
    %scan3A_52 = arith.addi %scan3A_50, %scan3A_51 : i32
    %scan3A_53 = arith.constant 1 : i32
    scf.for %scan3A_61 = %scan3A_50 to %scan3A_52 step %scan3A_53  : i32 {
      %mul3A_62 = arith.constant 2 : i32
      %mul3A_63 = arith.muli %mul3A_62, %scan3A_61 : i32
      %add3A_64 = arith.constant 0 : i32
      %add3A_65 = arith.addi %mul3A_63, %add3A_64 : i32
      %add3A_66 = arith.constant 40 : i32
      %add3A_67 = arith.addi %add3A_66, %add3A_65 : i32
      %dma_wait3A = arith.constant 0 : i32
      %dma_wait3A_68 = arith.constant 0 : i32
      %dma_wait3A_69 = arith.constant 0 : i32
      %dma_wait3A_70 = arith.constant 0 : i32
      %dma_wait3A_71 = tpu.memref_slice %arg11[%dma_wait3A_68, %dma_wait3A_69, %dma_wait3A_70] : memref<2x128x128xf32, #tpu.memory_space<vmem>> -> memref<1x128x128xf32, #tpu.memory_space<vmem>>
      %dma_wait3A_72 = tpu.memref_squeeze %dma_wait3A_71 : memref<1x128x128xf32, #tpu.memory_space<vmem>> -> memref<128x128xf32, #tpu.memory_space<vmem>>
      %dma_wait3A_73 = arith.constant 0 : i32
      %dma_wait3A_74 = tpu.memref_slice %arg9[%dma_wait3A, %dma_wait3A_73] : memref<80x128xi32, #tpu.memory_space<vmem>> -> memref<1x128xi32, #tpu.memory_space<vmem>>
      %dma_wait3A_75 = tpu.memref_squeeze %dma_wait3A_74 : memref<1x128xi32, #tpu.memory_space<vmem>> -> memref<128xi32, #tpu.memory_space<vmem>>
      %dma_wait3A_76 = arith.constant 0 : i32
      %dma_wait3A_77 = arith.constant 0 : i32
      %dma_wait3A_78 = tpu.memref_slice %arg2[%dma_wait3A_76, %dma_wait3A_77] : memref<20480x128xf32, #tpu.memory_space<hbm>> -> memref<20480x128xf32, #tpu.memory_space<hbm>>
      tpu.wait_indirect_dma semaphore(%arg13 : memref<!tpu.dma_semaphore, #tpu.memory_space<semaphore_mem>>) src(%dma_wait3A_78 : memref<20480x128xf32, #tpu.memory_space<hbm>>) dst(%dma_wait3A_72 : memref<128x128xf32, #tpu.memory_space<vmem>>)
      %run_scoped3A_79 = arith.constant 0 : i32
      "tpu.region"() ({
        %run_scoped3A_110 = tpu.sem_alloc : memref<!tpu.dma_semaphore, #tpu.memory_space<semaphore_mem>>
        %dma_start3A_111 = arith.constant 0 : i32
        %dma_start3A_112 = arith.constant 0 : i32
        %dma_start3A_113 = tpu.memref_slice %arg11[%run_scoped3A_79, %dma_start3A_111, %dma_start3A_112] : memref<2x128x128xf32, #tpu.memory_space<vmem>> -> memref<1x128x128xf32, #tpu.memory_space<vmem>>
        %dma_start3A_114 = tpu.memref_squeeze %dma_start3A_113 : memref<1x128x128xf32, #tpu.memory_space<vmem>> -> memref<128x128xf32, #tpu.memory_space<vmem>>
        %dma_start3A_115 = arith.constant 0 : i32
        %dma_start3A_116 = tpu.memref_slice %arg10[%add3A_65, %dma_start3A_115] : memref<40x128xi32, #tpu.memory_space<vmem>> -> memref<1x128xi32, #tpu.memory_space<vmem>>
        %dma_start3A_117 = tpu.memref_squeeze %dma_start3A_116 : memref<1x128xi32, #tpu.memory_space<vmem>> -> memref<128xi32, #tpu.memory_space<vmem>>
        %dma_start3A_118 = arith.constant 0 : i32
        %dma_start3A_119 = arith.constant 0 : i32
        %dma_start3A_120 = tpu.memref_slice %arg12[%dma_start3A_118, %dma_start3A_119] : memref<10240x128xf32, #tpu.memory_space<vmem_shared>> -> memref<10240x128xf32, #tpu.memory_space<vmem_shared>>
        tpu.enqueue_indirect_dma source(%dma_start3A_114 : memref<128x128xf32, #tpu.memory_space<vmem>>) target(%dma_start3A_120 : memref<10240x128xf32, #tpu.memory_space<vmem_shared>>) offsets(%dma_start3A_117 : memref<128xi32, #tpu.memory_space<vmem>>) semaphore(%run_scoped3A_110 : memref<!tpu.dma_semaphore, #tpu.memory_space<semaphore_mem>>) {add = true}
        %dma_wait3A_121 = arith.constant 0 : i32
        %dma_wait3A_122 = arith.constant 0 : i32
        %dma_wait3A_123 = tpu.memref_slice %arg11[%run_scoped3A_79, %dma_wait3A_121, %dma_wait3A_122] : memref<2x128x128xf32, #tpu.memory_space<vmem>> -> memref<1x128x128xf32, #tpu.memory_space<vmem>>
        %dma_wait3A_124 = tpu.memref_squeeze %dma_wait3A_123 : memref<1x128x128xf32, #tpu.memory_space<vmem>> -> memref<128x128xf32, #tpu.memory_space<vmem>>
        %dma_wait3A_125 = arith.constant 0 : i32
        %dma_wait3A_126 = tpu.memref_slice %arg10[%add3A_65, %dma_wait3A_125] : memref<40x128xi32, #tpu.memory_space<vmem>> -> memref<1x128xi32, #tpu.memory_space<vmem>>
        %dma_wait3A_127 = tpu.memref_squeeze %dma_wait3A_126 : memref<1x128xi32, #tpu.memory_space<vmem>> -> memref<128xi32, #tpu.memory_space<vmem>>
        %dma_wait3A_128 = arith.constant 0 : i32
        %dma_wait3A_129 = arith.constant 0 : i32
        %dma_wait3A_130 = tpu.memref_slice %arg12[%dma_wait3A_128, %dma_wait3A_129] : memref<10240x128xf32, #tpu.memory_space<vmem_shared>> -> memref<10240x128xf32, #tpu.memory_space<vmem_shared>>
        tpu.wait_indirect_dma semaphore(%run_scoped3A_110 : memref<!tpu.dma_semaphore, #tpu.memory_space<semaphore_mem>>) src(%dma_wait3A_124 : memref<128x128xf32, #tpu.memory_space<vmem>>) dst(%dma_wait3A_130 : memref<10240x128xf32, #tpu.memory_space<vmem_shared>>)
        tpu.yield
      }) : () -> ()
      %add3A_80 = arith.constant 2 : i32
      %add3A_81 = arith.addi %add3A_67, %add3A_80 : i32
      %lt3A = arith.constant 80 : i32
      %lt3A_82 = arith.cmpi slt, %add3A_81, %lt3A : i32
      %convert_element_type3A = arith.extui %lt3A_82 : i1 to i32
      %cond3A = arith.constant 0 : i32
      %cond3A_83 = arith.cmpi ne, %convert_element_type3A, %cond3A : i32
      scf.if %cond3A_83 {
        %add3A_110 = arith.constant 2 : i32
        %add3A_111 = arith.addi %add3A_67, %add3A_110 : i32
        %dma_start3A_112 = arith.constant 0 : i32
        %dma_start3A_113 = arith.constant 0 : i32
        %dma_start3A_114 = arith.constant 0 : i32
        %dma_start3A_115 = tpu.memref_slice %arg11[%dma_start3A_112, %dma_start3A_113, %dma_start3A_114] : memref<2x128x128xf32, #tpu.memory_space<vmem>> -> memref<1x128x128xf32, #tpu.memory_space<vmem>>
        %dma_start3A_116 = tpu.memref_squeeze %dma_start3A_115 : memref<1x128x128xf32, #tpu.memory_space<vmem>> -> memref<128x128xf32, #tpu.memory_space<vmem>>
        %dma_start3A_117 = arith.constant 0 : i32
        %dma_start3A_118 = tpu.memref_slice %arg9[%add3A_111, %dma_start3A_117] : memref<80x128xi32, #tpu.memory_space<vmem>> -> memref<1x128xi32, #tpu.memory_space<vmem>>
        %dma_start3A_119 = tpu.memref_squeeze %dma_start3A_118 : memref<1x128xi32, #tpu.memory_space<vmem>> -> memref<128xi32, #tpu.memory_space<vmem>>
        %dma_start3A_120 = arith.constant 0 : i32
        %dma_start3A_121 = arith.constant 0 : i32
        %dma_start3A_122 = tpu.memref_slice %arg2[%dma_start3A_120, %dma_start3A_121] : memref<20480x128xf32, #tpu.memory_space<hbm>> -> memref<20480x128xf32, #tpu.memory_space<hbm>>
        tpu.enqueue_indirect_dma source(%dma_start3A_122 : memref<20480x128xf32, #tpu.memory_space<hbm>>) target(%dma_start3A_116 : memref<128x128xf32, #tpu.memory_space<vmem>>) offsets(%dma_start3A_119 : memref<128xi32, #tpu.memory_space<vmem>>) semaphore(%arg13 : memref<!tpu.dma_semaphore, #tpu.memory_space<semaphore_mem>>)
      } else {
      }
      %mul3A_84 = arith.constant 2 : i32
      %mul3A_85 = arith.muli %mul3A_84, %scan3A_61 : i32
      %add3A_86 = arith.constant 1 : i32
      %add3A_87 = arith.addi %mul3A_85, %add3A_86 : i32
      %add3A_88 = arith.constant 40 : i32
      %add3A_89 = arith.addi %add3A_88, %add3A_87 : i32
      %dma_wait3A_90 = arith.constant 0 : i32
      %dma_wait3A_91 = arith.constant 1 : i32
      %dma_wait3A_92 = arith.constant 0 : i32
      %dma_wait3A_93 = arith.constant 0 : i32
      %dma_wait3A_94 = tpu.memref_slice %arg11[%dma_wait3A_91, %dma_wait3A_92, %dma_wait3A_93] : memref<2x128x128xf32, #tpu.memory_space<vmem>> -> memref<1x128x128xf32, #tpu.memory_space<vmem>>
      %dma_wait3A_95 = tpu.memref_squeeze %dma_wait3A_94 : memref<1x128x128xf32, #tpu.memory_space<vmem>> -> memref<128x128xf32, #tpu.memory_space<vmem>>
      %dma_wait3A_96 = arith.constant 0 : i32
      %dma_wait3A_97 = tpu.memref_slice %arg9[%dma_wait3A_90, %dma_wait3A_96] : memref<80x128xi32, #tpu.memory_space<vmem>> -> memref<1x128xi32, #tpu.memory_space<vmem>>
      %dma_wait3A_98 = tpu.memref_squeeze %dma_wait3A_97 : memref<1x128xi32, #tpu.memory_space<vmem>> -> memref<128xi32, #tpu.memory_space<vmem>>
      %dma_wait3A_99 = arith.constant 0 : i32
      %dma_wait3A_100 = arith.constant 0 : i32
      %dma_wait3A_101 = tpu.memref_slice %arg2[%dma_wait3A_99, %dma_wait3A_100] : memref<20480x128xf32, #tpu.memory_space<hbm>> -> memref<20480x128xf32, #tpu.memory_space<hbm>>
      tpu.wait_indirect_dma semaphore(%arg13 : memref<!tpu.dma_semaphore, #tpu.memory_space<semaphore_mem>>) src(%dma_wait3A_101 : memref<20480x128xf32, #tpu.memory_space<hbm>>) dst(%dma_wait3A_95 : memref<128x128xf32, #tpu.memory_space<vmem>>)
      %run_scoped3A_102 = arith.constant 1 : i32
      "tpu.region"() ({
        %run_scoped3A_110 = tpu.sem_alloc : memref<!tpu.dma_semaphore, #tpu.memory_space<semaphore_mem>>
        %dma_start3A_111 = arith.constant 0 : i32
        %dma_start3A_112 = arith.constant 0 : i32
        %dma_start3A_113 = tpu.memref_slice %arg11[%run_scoped3A_102, %dma_start3A_111, %dma_start3A_112] : memref<2x128x128xf32, #tpu.memory_space<vmem>> -> memref<1x128x128xf32, #tpu.memory_space<vmem>>
        %dma_start3A_114 = tpu.memref_squeeze %dma_start3A_113 : memref<1x128x128xf32, #tpu.memory_space<vmem>> -> memref<128x128xf32, #tpu.memory_space<vmem>>
        %dma_start3A_115 = arith.constant 0 : i32
        %dma_start3A_116 = tpu.memref_slice %arg10[%add3A_87, %dma_start3A_115] : memref<40x128xi32, #tpu.memory_space<vmem>> -> memref<1x128xi32, #tpu.memory_space<vmem>>
        %dma_start3A_117 = tpu.memref_squeeze %dma_start3A_116 : memref<1x128xi32, #tpu.memory_space<vmem>> -> memref<128xi32, #tpu.memory_space<vmem>>
        %dma_start3A_118 = arith.constant 0 : i32
        %dma_start3A_119 = arith.constant 0 : i32
        %dma_start3A_120 = tpu.memref_slice %arg12[%dma_start3A_118, %dma_start3A_119] : memref<10240x128xf32, #tpu.memory_space<vmem_shared>> -> memref<10240x128xf32, #tpu.memory_space<vmem_shared>>
        tpu.enqueue_indirect_dma source(%dma_start3A_114 : memref<128x128xf32, #tpu.memory_space<vmem>>) target(%dma_start3A_120 : memref<10240x128xf32, #tpu.memory_space<vmem_shared>>) offsets(%dma_start3A_117 : memref<128xi32, #tpu.memory_space<vmem>>) semaphore(%run_scoped3A_110 : memref<!tpu.dma_semaphore, #tpu.memory_space<semaphore_mem>>) {add = true}
        %dma_wait3A_121 = arith.constant 0 : i32
        %dma_wait3A_122 = arith.constant 0 : i32
        %dma_wait3A_123 = tpu.memref_slice %arg11[%run_scoped3A_102, %dma_wait3A_121, %dma_wait3A_122] : memref<2x128x128xf32, #tpu.memory_space<vmem>> -> memref<1x128x128xf32, #tpu.memory_space<vmem>>
        %dma_wait3A_124 = tpu.memref_squeeze %dma_wait3A_123 : memref<1x128x128xf32, #tpu.memory_space<vmem>> -> memref<128x128xf32, #tpu.memory_space<vmem>>
        %dma_wait3A_125 = arith.constant 0 : i32
        %dma_wait3A_126 = tpu.memref_slice %arg10[%add3A_87, %dma_wait3A_125] : memref<40x128xi32, #tpu.memory_space<vmem>> -> memref<1x128xi32, #tpu.memory_space<vmem>>
        %dma_wait3A_127 = tpu.memref_squeeze %dma_wait3A_126 : memref<1x128xi32, #tpu.memory_space<vmem>> -> memref<128xi32, #tpu.memory_space<vmem>>
        %dma_wait3A_128 = arith.constant 0 : i32
        %dma_wait3A_129 = arith.constant 0 : i32
        %dma_wait3A_130 = tpu.memref_slice %arg12[%dma_wait3A_128, %dma_wait3A_129] : memref<10240x128xf32, #tpu.memory_space<vmem_shared>> -> memref<10240x128xf32, #tpu.memory_space<vmem_shared>>
        tpu.wait_indirect_dma semaphore(%run_scoped3A_110 : memref<!tpu.dma_semaphore, #tpu.memory_space<semaphore_mem>>) src(%dma_wait3A_124 : memref<128x128xf32, #tpu.memory_space<vmem>>) dst(%dma_wait3A_130 : memref<10240x128xf32, #tpu.memory_space<vmem_shared>>)
        tpu.yield
      }) : () -> ()
      %add3A_103 = arith.constant 2 : i32
      %add3A_104 = arith.addi %add3A_89, %add3A_103 : i32
      %lt3A_105 = arith.constant 80 : i32
      %lt3A_106 = arith.cmpi slt, %add3A_104, %lt3A_105 : i32
      %convert_element_type3A_107 = arith.extui %lt3A_106 : i1 to i32
      %cond3A_108 = arith.constant 0 : i32
      %cond3A_109 = arith.cmpi ne, %convert_element_type3A_107, %cond3A_108 : i32
      scf.if %cond3A_109 {
        %add3A_110 = arith.constant 2 : i32
        %add3A_111 = arith.addi %add3A_89, %add3A_110 : i32
        %dma_start3A_112 = arith.constant 1 : i32
        %dma_start3A_113 = arith.constant 0 : i32
        %dma_start3A_114 = arith.constant 0 : i32
        %dma_start3A_115 = tpu.memref_slice %arg11[%dma_start3A_112, %dma_start3A_113, %dma_start3A_114] : memref<2x128x128xf32, #tpu.memory_space<vmem>> -> memref<1x128x128xf32, #tpu.memory_space<vmem>>
        %dma_start3A_116 = tpu.memref_squeeze %dma_start3A_115 : memref<1x128x128xf32, #tpu.memory_space<vmem>> -> memref<128x128xf32, #tpu.memory_space<vmem>>
        %dma_start3A_117 = arith.constant 0 : i32
        %dma_start3A_118 = tpu.memref_slice %arg9[%add3A_111, %dma_start3A_117] : memref<80x128xi32, #tpu.memory_space<vmem>> -> memref<1x128xi32, #tpu.memory_space<vmem>>
        %dma_start3A_119 = tpu.memref_squeeze %dma_start3A_118 : memref<1x128xi32, #tpu.memory_space<vmem>> -> memref<128xi32, #tpu.memory_space<vmem>>
        %dma_start3A_120 = arith.constant 0 : i32
        %dma_start3A_121 = arith.constant 0 : i32
        %dma_start3A_122 = tpu.memref_slice %arg2[%dma_start3A_120, %dma_start3A_121] : memref<20480x128xf32, #tpu.memory_space<hbm>> -> memref<20480x128xf32, #tpu.memory_space<hbm>>
        tpu.enqueue_indirect_dma source(%dma_start3A_122 : memref<20480x128xf32, #tpu.memory_space<hbm>>) target(%dma_start3A_116 : memref<128x128xf32, #tpu.memory_space<vmem>>) offsets(%dma_start3A_119 : memref<128xi32, #tpu.memory_space<vmem>>) semaphore(%arg13 : memref<!tpu.dma_semaphore, #tpu.memory_space<semaphore_mem>>)
      } else {
      }
    }
    %scan3A_54 = arith.constant 20 : i32
    %barrier3A_55 = arith.constant 0 : index
    tpu.barrier barrier_id(%barrier3A_55)
    %mul3A_56 = arith.constant 640 : i32
    %mul3A_57 = arith.muli %arg1, %mul3A_56 : i32
    %mul3A_58 = arith.constant 10240 : i32
    %mul3A_59 = arith.muli %arg0, %mul3A_58 : i32
    %add3A_60 = arith.addi %mul3A_59, %mul3A_57 : i32
    "tpu.region"() ({
      %run_scoped3A_61 = tpu.sem_alloc : memref<!tpu.dma_semaphore, #tpu.memory_space<semaphore_mem>>
      %dma_start3A_62 = arith.constant 0 : i32
      %dma_start3A_63 = tpu.memref_slice %arg7[%add3A_60, %dma_start3A_62] : memref<20480x128xf32, #tpu.memory_space<hbm>> -> memref<640x128xf32, #tpu.memory_space<hbm>>
      %dma_start3A_64 = arith.constant 0 : i32
      %dma_start3A_65 = tpu.memref_slice %arg12[%mul3A_57, %dma_start3A_64] : memref<10240x128xf32, #tpu.memory_space<vmem_shared>> -> memref<640x128xf32, #tpu.memory_space<vmem_shared>>
      tpu.enqueue_dma source(%dma_start3A_65 : memref<640x128xf32, #tpu.memory_space<vmem_shared>>) target(%dma_start3A_63 : memref<640x128xf32, #tpu.memory_space<hbm>>) target_semaphore(%run_scoped3A_61 : memref<!tpu.dma_semaphore, #tpu.memory_space<semaphore_mem>>)
      %dma_wait3A = arith.constant 0 : i32
      %dma_wait3A_66 = tpu.memref_slice %arg7[%add3A_60, %dma_wait3A] : memref<20480x128xf32, #tpu.memory_space<hbm>> -> memref<640x128xf32, #tpu.memory_space<hbm>>
      %dma_wait3A_67 = arith.constant 0 : i32
      %dma_wait3A_68 = tpu.memref_slice %arg12[%mul3A_57, %dma_wait3A_67] : memref<10240x128xf32, #tpu.memory_space<vmem_shared>> -> memref<640x128xf32, #tpu.memory_space<vmem_shared>>
      tpu.wait_dma2 semaphore(%run_scoped3A_61 : memref<!tpu.dma_semaphore, #tpu.memory_space<semaphore_mem>>) src(%dma_wait3A_68 : memref<640x128xf32, #tpu.memory_space<vmem_shared>>) dst(%dma_wait3A_66 : memref<640x128xf32, #tpu.memory_space<hbm>>)
      tpu.yield
    }) : () -> ()
    return
  }
}

module attributes {stable_mosaic.version = 14 : i64} {
  func.func @_tc_self_body(%arg0: i32, %arg1: memref<1024x256xf32, #tpu.memory_space<vmem>>, %arg2: memref<256x256xf32, #tpu.memory_space<vmem>>, %arg3: memref<1x256xf32, #tpu.memory_space<vmem>>, %arg4: memref<1024x256xf32, #tpu.memory_space<vmem>>) attributes {dimension_semantics = [#tpu.dimension_semantics<arbitrary>], iteration_bounds = array<i64: 10>, scalar_prefetch = 0 : i64, scratch_operands = 0 : i64, tpu.core_type = #tpu.core_type<tc>, window_params = [{transform_indices = @transform_0, window_bounds = array<i64: 1024, 256>}, {pipeline_mode = #tpu.pipeline_mode<synchronous>, transform_indices = @transform_1, window_bounds = array<i64: 256, 256>}, {pipeline_mode = #tpu.pipeline_mode<synchronous>, transform_indices = @transform_2, window_bounds = array<i64: 1, 256>}, {transform_indices = @transform_3, window_bounds = array<i64: 1024, 256>}]} {
    %get3A = arith.constant 0 : index
    %get3A_0 = arith.constant 0 : index
    %get3A_1 = vector.load %arg1[%get3A, %get3A_0] : memref<1024x256xf32, #tpu.memory_space<vmem>>, vector<1024x256xf32>
    %get3A_2 = arith.constant 0 : index
    %get3A_3 = arith.constant 0 : index
    %get3A_4 = vector.load %arg2[%get3A_2, %get3A_3] : memref<256x256xf32, #tpu.memory_space<vmem>>, vector<256x256xf32>
    %dot_general3A = arith.constant dense<0.000000e+00> : vector<1024x256xf32>
    %dot_general3A_5 = tpu.matmul %get3A_1, %get3A_4, %dot_general3A {dimension_numbers = #tpu.dot_dimension_numbers<[1], [0], [0], [1], [0, 0, 1, 1], [], []>, transpose_lhs_hint = false} : vector<1024x256xf32>, vector<256x256xf32>, vector<1024x256xf32> -> vector<1024x256xf32>
    %get3A_6 = arith.constant 0 : index
    %get3A_7 = arith.constant 0 : index
    %get3A_8 = vector.load %arg3[%get3A_6, %get3A_7] : memref<1x256xf32, #tpu.memory_space<vmem>>, vector<1x256xf32>
    %add3A = vector.broadcast %get3A_8 : vector<1x256xf32> to vector<1024x256xf32>
    %add3A_9 = arith.addf %dot_general3A_5, %add3A : vector<1024x256xf32>
    %swap3A = arith.constant 0 : index
    %swap3A_10 = arith.constant 0 : index
    %swap3A_11 = vector.load %arg4[%swap3A, %swap3A_10] : memref<1024x256xf32, #tpu.memory_space<vmem>>, vector<1024x256xf32>
    tpu.vector_store %arg4[%swap3A, %swap3A_10], %add3A_9 {strides = array<i32>} : memref<1024x256xf32, #tpu.memory_space<vmem>>, vector<1024x256xf32>,
    return
  }
  func.func @transform_0(%arg0: i32) -> (i32, i32) {
    %c0_i32 = arith.constant 0 : i32
    %c0_i32_0 = arith.constant 0 : i32
    return %arg0, %c0_i32 : i32, i32
  }
  func.func @transform_1(%arg0: i32) -> (i32, i32) {
    %c0_i32 = arith.constant 0 : i32
    %c0_i32_0 = arith.constant 0 : i32
    %c0_i32_1 = arith.constant 0 : i32
    return %c0_i32, %c0_i32_0 : i32, i32
  }
  func.func @transform_2(%arg0: i32) -> (i32, i32) {
    %c0_i32 = arith.constant 0 : i32
    %c0_i32_0 = arith.constant 0 : i32
    %c0_i32_1 = arith.constant 0 : i32
    return %c0_i32, %c0_i32_0 : i32, i32
  }
  func.func @transform_3(%arg0: i32) -> (i32, i32) {
    %c0_i32 = arith.constant 0 : i32
    %c0_i32_0 = arith.constant 0 : i32
    return %arg0, %c0_i32 : i32, i32
  }
}

module attributes {stable_mosaic.version = 14 : i64} {
  func.func @_tc_neigh_body(%arg0: i32, %arg1: memref<1024x256xf32, #tpu.memory_space<vmem>>, %arg2: memref<1024x128xf32, #tpu.memory_space<vmem>>, %arg3: memref<1024x128xf32, #tpu.memory_space<vmem>>, %arg4: memref<1024x128xf32, #tpu.memory_space<vmem>>, %arg5: memref<1024x128xf32, #tpu.memory_space<vmem>>, %arg6: memref<256x256xf32, #tpu.memory_space<vmem>>, %arg7: memref<1024x256xf32, #tpu.memory_space<vmem>>) attributes {dimension_semantics = [#tpu.dimension_semantics<arbitrary>], iteration_bounds = array<i64: 10>, scalar_prefetch = 0 : i64, scratch_operands = 0 : i64, tpu.core_type = #tpu.core_type<tc>, window_params = [{transform_indices = @transform_0, window_bounds = array<i64: 1024, 256>}, {transform_indices = @transform_1, window_bounds = array<i64: 1024, 128>}, {transform_indices = @transform_2, window_bounds = array<i64: 1024, 128>}, {transform_indices = @transform_3, window_bounds = array<i64: 1024, 128>}, {transform_indices = @transform_4, window_bounds = array<i64: 1024, 128>}, {pipeline_mode = #tpu.pipeline_mode<synchronous>, transform_indices = @transform_5, window_bounds = array<i64: 256, 256>}, {transform_indices = @transform_6, window_bounds = array<i64: 1024, 256>}]} {
    %get3A = arith.constant 0 : index
    %get3A_0 = arith.constant 0 : index
    %get3A_1 = vector.load %arg4[%get3A, %get3A_0] : memref<1024x128xf32, #tpu.memory_space<vmem>>, vector<1024x1xf32>
    %get3A_2 = arith.constant 0 : index
    %get3A_3 = arith.constant 0 : index
    %get3A_4 = vector.load %arg5[%get3A_2, %get3A_3] : memref<1024x128xf32, #tpu.memory_space<vmem>>, vector<1024x1xf32>
    %add3A = arith.addf %get3A_1, %get3A_4 : vector<1024x1xf32>
    %max3A = arith.constant 1.000000e+00 : f32
    %max3A_5 = vector.broadcast %max3A : f32 to vector<1024x1xf32>
    %max3A_6 = arith.maximumf %add3A, %max3A_5 : vector<1024x1xf32>
    %div3A = arith.constant 1.000000e+00 : f32
    %div3A_7 = vector.broadcast %div3A : f32 to vector<1024x1xf32>
    %div3A_8 = arith.divf %div3A_7, %max3A_6 : vector<1024x1xf32>
    %get3A_9 = arith.constant 0 : index
    %get3A_10 = arith.constant 0 : index
    %get3A_11 = vector.load %arg1[%get3A_9, %get3A_10] : memref<1024x256xf32, #tpu.memory_space<vmem>>, vector<1024x256xf32>
    %get3A_12 = arith.constant 0 : index
    %get3A_13 = arith.constant 0 : index
    %get3A_14 = vector.load %arg2[%get3A_12, %get3A_13] : memref<1024x128xf32, #tpu.memory_space<vmem>>, vector<1024x128xf32>
    %mul3A = vector.broadcast %div3A_8 : vector<1024x1xf32> to vector<1024x128xf32>
    %mul3A_15 = arith.mulf %get3A_14, %mul3A : vector<1024x128xf32>
    %get3A_16 = arith.constant 0 : index
    %get3A_17 = arith.constant 0 : index
    %get3A_18 = vector.load %arg6[%get3A_16, %get3A_17] : memref<256x256xf32, #tpu.memory_space<vmem>>, vector<128x256xf32>
    %dot_general3A = arith.constant dense<0.000000e+00> : vector<1024x256xf32>
    %dot_general3A_19 = tpu.matmul %mul3A_15, %get3A_18, %dot_general3A {dimension_numbers = #tpu.dot_dimension_numbers<[1], [0], [0], [1], [0, 0, 1, 1], [], []>, transpose_lhs_hint = false} : vector<1024x128xf32>, vector<128x256xf32>, vector<1024x256xf32> -> vector<1024x256xf32>
    %add3A_20 = arith.addf %get3A_11, %dot_general3A_19 : vector<1024x256xf32>
    %get3A_21 = arith.constant 0 : index
    %get3A_22 = arith.constant 0 : index
    %get3A_23 = vector.load %arg3[%get3A_21, %get3A_22] : memref<1024x128xf32, #tpu.memory_space<vmem>>, vector<1024x128xf32>
    %mul3A_24 = vector.broadcast %div3A_8 : vector<1024x1xf32> to vector<1024x128xf32>
    %mul3A_25 = arith.mulf %get3A_23, %mul3A_24 : vector<1024x128xf32>
    %get3A_26 = arith.constant 128 : index
    %get3A_27 = arith.constant 0 : index
    %get3A_28 = vector.load %arg6[%get3A_26, %get3A_27] : memref<256x256xf32, #tpu.memory_space<vmem>>, vector<128x256xf32>
    %dot_general3A_29 = arith.constant dense<0.000000e+00> : vector<1024x256xf32>
    %dot_general3A_30 = tpu.matmul %mul3A_25, %get3A_28, %dot_general3A_29 {dimension_numbers = #tpu.dot_dimension_numbers<[1], [0], [0], [1], [0, 0, 1, 1], [], []>, transpose_lhs_hint = false} : vector<1024x128xf32>, vector<128x256xf32>, vector<1024x256xf32> -> vector<1024x256xf32>
    %add3A_31 = arith.addf %add3A_20, %dot_general3A_30 : vector<1024x256xf32>
    %max3A_32 = arith.constant 0.000000e+00 : f32
    %max3A_33 = vector.broadcast %max3A_32 : f32 to vector<1024x256xf32>
    %max3A_34 = arith.maximumf %add3A_31, %max3A_33 : vector<1024x256xf32>
    %swap3A = arith.constant 0 : index
    %swap3A_35 = arith.constant 0 : index
    %swap3A_36 = vector.load %arg7[%swap3A, %swap3A_35] : memref<1024x256xf32, #tpu.memory_space<vmem>>, vector<1024x256xf32>
    tpu.vector_store %arg7[%swap3A, %swap3A_35], %max3A_34 {strides = array<i32>} : memref<1024x256xf32, #tpu.memory_space<vmem>>, vector<1024x256xf32>,
    return
  }
  func.func @transform_0(%arg0: i32) -> (i32, i32) {
    %c0_i32 = arith.constant 0 : i32
    %c0_i32_0 = arith.constant 0 : i32
    return %arg0, %c0_i32 : i32, i32
  }
  func.func @transform_1(%arg0: i32) -> (i32, i32) {
    %c0_i32 = arith.constant 0 : i32
    %c0_i32_0 = arith.constant 0 : i32
    return %arg0, %c0_i32 : i32, i32
  }
  func.func @transform_2(%arg0: i32) -> (i32, i32) {
    %add3A = arith.constant 10 : i32
    %add3A_0 = arith.addi %arg0, %add3A : i32
    %c0_i32 = arith.constant 0 : i32
    %c0_i32_1 = arith.constant 0 : i32
    return %add3A_0, %c0_i32 : i32, i32
  }
  func.func @transform_3(%arg0: i32) -> (i32, i32) {
    %c0_i32 = arith.constant 0 : i32
    %c0_i32_0 = arith.constant 0 : i32
    return %arg0, %c0_i32 : i32, i32
  }
  func.func @transform_4(%arg0: i32) -> (i32, i32) {
    %add3A = arith.constant 10 : i32
    %add3A_0 = arith.addi %arg0, %add3A : i32
    %c0_i32 = arith.constant 0 : i32
    %c0_i32_1 = arith.constant 0 : i32
    return %add3A_0, %c0_i32 : i32, i32
  }
  func.func @transform_5(%arg0: i32) -> (i32, i32) {
    %c0_i32 = arith.constant 0 : i32
    %c0_i32_0 = arith.constant 0 : i32
    %c0_i32_1 = arith.constant 0 : i32
    return %c0_i32, %c0_i32_0 : i32, i32
  }
  func.func @transform_6(%arg0: i32) -> (i32, i32) {
    %c0_i32 = arith.constant 0 : i32
    %c0_i32_0 = arith.constant 0 : i32
    return %arg0, %c0_i32 : i32, i32
  }
}

module attributes {stable_mosaic.version = 14 : i64} {
  func.func @_tc_neigh_body(%arg0: i32, %arg1: memref<1024x256xf32, #tpu.memory_space<vmem>>, %arg2: memref<1024x128xf32, #tpu.memory_space<vmem>>, %arg3: memref<1024x128xf32, #tpu.memory_space<vmem>>, %arg4: memref<1024x128xf32, #tpu.memory_space<vmem>>, %arg5: memref<1024x128xf32, #tpu.memory_space<vmem>>, %arg6: memref<256x256xf32, #tpu.memory_space<vmem>>, %arg7: memref<1024x256xf32, #tpu.memory_space<vmem>>) attributes {dimension_semantics = [#tpu.dimension_semantics<arbitrary>], iteration_bounds = array<i64: 10>, scalar_prefetch = 0 : i64, scratch_operands = 0 : i64, tpu.core_type = #tpu.core_type<tc>, window_params = [{transform_indices = @transform_0, window_bounds = array<i64: 1024, 256>}, {transform_indices = @transform_1, window_bounds = array<i64: 1024, 128>}, {transform_indices = @transform_2, window_bounds = array<i64: 1024, 128>}, {transform_indices = @transform_3, window_bounds = array<i64: 1024, 128>}, {transform_indices = @transform_4, window_bounds = array<i64: 1024, 128>}, {pipeline_mode = #tpu.pipeline_mode<synchronous>, transform_indices = @transform_5, window_bounds = array<i64: 256, 256>}, {transform_indices = @transform_6, window_bounds = array<i64: 1024, 256>}]} {
    %get3A = arith.constant 0 : index
    %get3A_0 = arith.constant 0 : index
    %get3A_1 = vector.load %arg4[%get3A, %get3A_0] : memref<1024x128xf32, #tpu.memory_space<vmem>>, vector<1024x1xf32>
    %get3A_2 = arith.constant 0 : index
    %get3A_3 = arith.constant 0 : index
    %get3A_4 = vector.load %arg5[%get3A_2, %get3A_3] : memref<1024x128xf32, #tpu.memory_space<vmem>>, vector<1024x1xf32>
    %add3A = arith.addf %get3A_1, %get3A_4 : vector<1024x1xf32>
    %max3A = arith.constant 1.000000e+00 : f32
    %max3A_5 = vector.broadcast %max3A : f32 to vector<1024x1xf32>
    %max3A_6 = arith.maximumf %add3A, %max3A_5 : vector<1024x1xf32>
    %div3A = arith.constant 1.000000e+00 : f32
    %div3A_7 = vector.broadcast %div3A : f32 to vector<1024x1xf32>
    %div3A_8 = arith.divf %div3A_7, %max3A_6 : vector<1024x1xf32>
    %get3A_9 = arith.constant 0 : index
    %get3A_10 = arith.constant 0 : index
    %get3A_11 = vector.load %arg1[%get3A_9, %get3A_10] : memref<1024x256xf32, #tpu.memory_space<vmem>>, vector<1024x256xf32>
    %get3A_12 = arith.constant 0 : index
    %get3A_13 = arith.constant 0 : index
    %get3A_14 = vector.load %arg2[%get3A_12, %get3A_13] : memref<1024x128xf32, #tpu.memory_space<vmem>>, vector<1024x128xf32>
    %mul3A = vector.broadcast %div3A_8 : vector<1024x1xf32> to vector<1024x128xf32>
    %mul3A_15 = arith.mulf %get3A_14, %mul3A : vector<1024x128xf32>
    %get3A_16 = arith.constant 0 : index
    %get3A_17 = arith.constant 0 : index
    %get3A_18 = vector.load %arg6[%get3A_16, %get3A_17] : memref<256x256xf32, #tpu.memory_space<vmem>>, vector<128x256xf32>
    %dot_general3A = arith.constant dense<0.000000e+00> : vector<1024x256xf32>
    %dot_general3A_19 = tpu.matmul %mul3A_15, %get3A_18, %dot_general3A {dimension_numbers = #tpu.dot_dimension_numbers<[1], [0], [0], [1], [0, 0, 1, 1], [], []>, transpose_lhs_hint = false} : vector<1024x128xf32>, vector<128x256xf32>, vector<1024x256xf32> -> vector<1024x256xf32>
    %add3A_20 = arith.addf %get3A_11, %dot_general3A_19 : vector<1024x256xf32>
    %get3A_21 = arith.constant 0 : index
    %get3A_22 = arith.constant 0 : index
    %get3A_23 = vector.load %arg3[%get3A_21, %get3A_22] : memref<1024x128xf32, #tpu.memory_space<vmem>>, vector<1024x128xf32>
    %mul3A_24 = vector.broadcast %div3A_8 : vector<1024x1xf32> to vector<1024x128xf32>
    %mul3A_25 = arith.mulf %get3A_23, %mul3A_24 : vector<1024x128xf32>
    %get3A_26 = arith.constant 128 : index
    %get3A_27 = arith.constant 0 : index
    %get3A_28 = vector.load %arg6[%get3A_26, %get3A_27] : memref<256x256xf32, #tpu.memory_space<vmem>>, vector<128x256xf32>
    %dot_general3A_29 = arith.constant dense<0.000000e+00> : vector<1024x256xf32>
    %dot_general3A_30 = tpu.matmul %mul3A_25, %get3A_28, %dot_general3A_29 {dimension_numbers = #tpu.dot_dimension_numbers<[1], [0], [0], [1], [0, 0, 1, 1], [], []>, transpose_lhs_hint = false} : vector<1024x128xf32>, vector<128x256xf32>, vector<1024x256xf32> -> vector<1024x256xf32>
    %add3A_31 = arith.addf %add3A_20, %dot_general3A_30 : vector<1024x256xf32>
    %swap3A = arith.constant 0 : index
    %swap3A_32 = arith.constant 0 : index
    %swap3A_33 = vector.load %arg7[%swap3A, %swap3A_32] : memref<1024x256xf32, #tpu.memory_space<vmem>>, vector<1024x256xf32>
    tpu.vector_store %arg7[%swap3A, %swap3A_32], %add3A_31 {strides = array<i32>} : memref<1024x256xf32, #tpu.memory_space<vmem>>, vector<1024x256xf32>,
    return
  }
  func.func @transform_0(%arg0: i32) -> (i32, i32) {
    %c0_i32 = arith.constant 0 : i32
    %c0_i32_0 = arith.constant 0 : i32
    return %arg0, %c0_i32 : i32, i32
  }
  func.func @transform_1(%arg0: i32) -> (i32, i32) {
    %c0_i32 = arith.constant 0 : i32
    %c0_i32_0 = arith.constant 0 : i32
    return %arg0, %c0_i32 : i32, i32
  }
  func.func @transform_2(%arg0: i32) -> (i32, i32) {
    %add3A = arith.constant 10 : i32
    %add3A_0 = arith.addi %arg0, %add3A : i32
    %c0_i32 = arith.constant 0 : i32
    %c0_i32_1 = arith.constant 0 : i32
    return %add3A_0, %c0_i32 : i32, i32
  }
  func.func @transform_3(%arg0: i32) -> (i32, i32) {
    %c0_i32 = arith.constant 0 : i32
    %c0_i32_0 = arith.constant 0 : i32
    return %arg0, %c0_i32 : i32, i32
  }
  func.func @transform_4(%arg0: i32) -> (i32, i32) {
    %add3A = arith.constant 10 : i32
    %add3A_0 = arith.addi %arg0, %add3A : i32
    %c0_i32 = arith.constant 0 : i32
    %c0_i32_1 = arith.constant 0 : i32
    return %add3A_0, %c0_i32 : i32, i32
  }
  func.func @transform_5(%arg0: i32) -> (i32, i32) {
    %c0_i32 = arith.constant 0 : i32
    %c0_i32_0 = arith.constant 0 : i32
    %c0_i32_1 = arith.constant 0 : i32
    return %c0_i32, %c0_i32_0 : i32, i32
  }
  func.func @transform_6(%arg0: i32) -> (i32, i32) {
    %c0_i32 = arith.constant 0 : i32
    %c0_i32_0 = arith.constant 0 : i32
    return %arg0, %c0_i32 : i32, i32
  }
}

</mosaic_0001>

<sc_bundles>
// kernel: kernel.11.cloned.1.call-start
scs
__scs_entry_jumppad:
0x0: {  	(pc) =	sbr.rel $0x88, $3  }
0x1: {  	(tag) =	ssettag $0x0;
	lr =	simm.s32 $0x1  }
0x2: {  	[smem:$0x3F99] =	sst lr;
	_ =	strace $0xD0000000  }
0x3: {  	_ = 	snop  }
0x4: {  	_ = 	snop  }
0x5: {  	_ = 	snop  }
0x6: {  	_ = 	snop  }
0x7: {  	_ = 	snop  }
__scs_overlays_trampoline_lowered:
0x8: {  	[smem:$0x3FA8] =	sst s0  }
0x9: {  	[smem:$0x3FA9] =	sst s1  }
0xa: {  	[smem:$0x3FAA] =	sst s2  }
0xb: {  	[smem:$0x3FAB] =	sst s3  }
0xc: {  	[smem:$0x3FAC] =	sst s4  }
0xd: {  	[smem:$0x3FAD] =	sst s5  }
0xe: {  	[smem:$0x3FAE] =	sst s6  }
0xf: {  	[smem:$0x3FAF] =	sst s7  }
0x10: {  	[smem:$0x3FB0] =	sst s8  }
0x11: {  	[smem:$0x3FB1] =	sst s9;
	s0 =	simm.s32 @!p0 $0x0  }
0x12: {  	s1 =	sld [smem:$0x3F97];
	s0 =	simm.s32 @p0 $0x1  }
0x13: {  	[smem:$0x3FB2] =	sst s0;
	s0 =	simm.s32 @!p1 $0x0  }
0x14: {  	s2 =	sld [smem:$0x3F96];
	s0 =	simm.s32 @p1 $0x1  }
0x15: {  	[smem:$0x3FB3] =	sst s0;
	s0 =	simm.s32 @!p2 $0x0  }
0x16: {  	s3 =	sld [smem:$0x3FDB];
	s0 =	simm.s32 @p2 $0x1  }
0x17: {  	s4 =	simm.s32 $0x1BF5;
	[smem:$0x3FB5] =	sst s0  }
0x18: {  	s0 =	sld [smem:$0x3F98];
	_ =	swait.ge [sflag:s4], $0x0  }
0x19: {  	s7 =	sld [smem:$0x3F99]  }
0x1a: {  	s8 =	sadd.s32 $0xFFFFE003, lr  }
0x1b: {  	s9 =	sadd.s32 $0xFFFFFEF7, lr;
	s5 =	simm.s32 $0xFFFFFFFF;
	p2 =	slt.u32 s8, $0xFFFFF086  }
0x1c: {  	p1 =	slt.u32 s9, $0xF7A;
	s5 =	simm.s32 @!p2 $0x0  }
0x1d: {  	s5 =	simm.s32 @p1 $0x1;
	p0 =	seq.s32 s7, s2  }
0x1e: {  	s7 =	smul.u32 @!p0 $0xF7A, s2;
	p2 =	seq.s32 @!p0 s5, $0x0  }
0x1f: {  	s9 =	smul.u32 $0xF7A, s1;
	s8 =	simm.s32 @!p0 $0x1BF5;
	p2 =	por !p2, p0  }
0x20: {  	[sflag:s8] =	ssyncset.s32 @!p0 $0xFFFFF086;
	s6 =	sadd.s32 @!p0 s3, s7;
	s7 =	simm.s32 @!p0 $0x108  }
0x21: {  	s3 =	sadd.s32 s3, s9;
	s6 =	sadd.s32 @!p0 $0x88, s6;
	s7 =	simm.s32 @p2 $0x1082  }
0x22: {  	[simem:s7], [sflag:s8] =	dma.local @!p0 [hbm:s6], $0xF7A  }
0x23: {  	s9 =	sor.u32 $0xD0000000, s2;
	s6 =	simm.s32 $0x108;
	_ =	swait.ge @!p0 [sflag:s8], $0x0  }
0x24: {  	s3 =	sadd.s32 $0x88, s3;
	s6 =	simm.s32 @!p1 $0x1082;
	[sflag:s4] =	ssyncset.s32 $0xFFFFF086  }
0x25: {  	[simem:s6], [sflag:s4] =	dma.local [hbm:s3], $0xF7A  }
0x26: {  	[smem:$0x3F99] =	sst s1;
	(tag) =	ssettag s2;
	_ =	strace s9  }
0x27: {  	s1 =	sld [smem:$0x3FA9]  }
0x28: {  	s2 =	sld [smem:$0x3FAA]  }
0x29: {  	s4 =	sld [smem:$0x3FAC]  }
0x2a: {  	p0 =	seq.s32 s5, $0x0;
	s5 =	sld [smem:$0x3FAD]  }
0x2b: {  	s6 =	sld [smem:$0x3FAE]  }
0x2c: {  	s7 =	sld [smem:$0x3FAF]  }
0x2d: {  	s3 =	simm.s32 $0x108;
	s8 =	sld [smem:$0x3FB0]  }
0x2e: {  	s3 =	simm.s32 @!p0 $0x1082;
	s9 =	sld [smem:$0x3FB1]  }
0x2f: {  	lr =	sadd.s32 s0, s3;
	s0 =	sld [smem:$0x3FA8]  }
0x30: {  	s3 =	sld [smem:$0x3FAB]  }
0x31: {  	[smem:$0x3FB4] =	sst s10  }
0x32: {  	s10 =	sld [smem:$0x3FB2];
	_ =	sdelay $0x3  }
0x33: {  	p0 =	seq.s32 s10, $0x1;
	s10 =	sld [smem:$0x3FB4];
	_ =	sdelay $0x3  }
0x34: {  	[smem:$0x3FB4] =	sst s10  }
0x35: {  	s10 =	sld [smem:$0x3FB3];
	_ =	sdelay $0x3  }
0x36: {  	p1 =	seq.s32 s10, $0x1;
	s10 =	sld [smem:$0x3FB4];
	_ =	sdelay $0x3  }
0x37: {  	[smem:$0x3FB4] =	sst s10  }
0x38: {  	s10 =	sld [smem:$0x3FB5]  }
0x39: {  	_ = 	snop;
	(pc) =	sbr.ind lr, $3  }
0x3a: {  	_ = 	snop  }
0x3b: {  	_ = 	snop  }
0x3c: {  	p2 =	seq.s32 s10, $0x1;
	s10 =	sld [smem:$0x3FB4]  }
0x3d: {  	_ =	shalt  }
0x3e: {  	_ =	shalt  }
0x3f: {  	_ =	shalt  }
0x40: {  	_ =	shalt  }
0x41: {  	_ =	shalt  }
0x42: {  	_ =	shalt  }
0x43: {  	_ =	shalt  }
0x44: {  	_ =	shalt  }
0x45: {  	_ =	shalt  }
0x46: {  	_ =	shalt  }
0x47: {  	_ =	shalt  }
0x48: {  	_ =	shalt  }
0x49: {  	_ =	shalt  }
0x4a: {  	_ =	shalt  }
0x4b: {  	_ =	shalt  }
0x4c: {  	_ =	shalt  }
0x4d: {  	_ =	shalt  }
0x4e: {  	_ =	shalt  }
0x4f: {  	_ =	shalt  }
0x50: {  	_ =	shalt  }
0x51: {  	_ =	shalt  }
0x52: {  	_ =	shalt  }
0x53: {  	_ =	shalt  }
0x54: {  	_ =	shalt  }
0x55: {  	_ =	shalt  }
0x56: {  	_ =	shalt  }
0x57: {  	_ =	shalt  }
0x58: {  	_ =	shalt  }
0x59: {  	_ =	shalt  }
0x5a: {  	_ =	shalt  }
0x5b: {  	_ =	shalt  }
0x5c: {  	_ =	shalt  }
0x5d: {  	_ =	shalt  }
0x5e: {  	_ =	shalt  }
0x5f: {  	_ =	shalt  }
0x60: {  	_ =	shalt  }
0x61: {  	_ =	shalt  }
0x62: {  	_ =	shalt  }
0x63: {  	_ =	shalt  }
0x64: {  	_ =	shalt  }
0x65: {  	_ =	shalt  }
0x66: {  	_ =	shalt  }
0x67: {  	_ =	shalt  }
0x68: {  	_ =	shalt  }
0x69: {  	_ =	shalt  }
0x6a: {  	_ =	shalt  }
0x6b: {  	_ =	shalt  }
0x6c: {  	_ =	shalt  }
0x6d: {  	_ =	shalt  }
0x6e: {  	_ =	shalt  }
0x6f: {  	_ =	shalt  }
0x70: {  	_ =	shalt  }
0x71: {  	_ =	shalt  }
0x72: {  	_ =	shalt  }
0x73: {  	_ =	shalt  }
0x74: {  	_ =	shalt  }
0x75: {  	_ =	shalt  }
0x76: {  	_ =	shalt  }
0x77: {  	_ =	shalt  }
0x78: {  	_ =	shalt  }
0x79: {  	_ =	shalt  }
0x7a: {  	_ =	shalt  }
0x7b: {  	_ =	shalt  }
0x7c: {  	_ =	shalt  }
0x7d: {  	_ =	shalt  }
0x7e: {  	_ =	shalt  }
0x7f: {  	_ =	shalt  }
0x80: {  	_ =	shalt  }
0x81: {  	_ =	shalt  }
0x82: {  	_ =	shalt  }
0x83: {  	_ =	shalt  }
0x84: {  	_ =	shalt  }
0x85: {  	_ =	shalt  }
0x86: {  	_ =	shalt  }
0x87: {  	_ =	shalt  }
.Lfunc_end0:
.L_simem_size_0:
called_computation.1_lowered:
.L_overlay_start_0:
0x88: {  	s2 =	sld [smem:$0x3FD9]  }
0x89: {  	s3 =	sld [smem:$0x3FFE];
	_ =	sdelay $0x1  }
0x8a: {  	s1 =	srdreg.scid  }
0x8b: {  	s0 =	sand.u32 $0x1, s1  }
0x8c: {  	s17 =	sshll.u32 s0, $0xA;
	s2 =	sadd.s32 s3, s2  }
0x8d: {  	s2 =	sadd.s32 s2, s17  }
0x8e: {  	[smem:$0x3FC0] =	sst s2  }
0x8f: {  	_ = 	snop  }
0x90: {  	s2 =	sld [smem:$0x3FD0];
	(tm) =	ssettm $0x1  }
0x91: {  	s18 =	sld [smem:$0x3FFB];
	_ =	sdelay $0x3  }
0x92: {  	_ =	strace s18  }
0x93: {  	s3 =	sld [smem:$0x3FFC];
	_ =	sdelay $0x3  }
0x94: {  	_ =	strace s3  }
0x95: {  	s3 =	sld [smem:$0x3FFD];
	_ =	sdelay $0x3  }
0x96: {  	_ =	strace s3  }
0x97: {  	_ =	strace $0x8FFFFFFF  }
0x98: {  	s19 =	sld [smem:$0x3FDB];
	_ =	sdelay $0x1  }
0x99: {  	s4 =	simm.s32 $_scs_section_size  }
0x9a: {  	s5 =	simm.s32 $_size__tile_overlayer_lowered;
	s6 =	simm.s32 $_tile_overlayer_lowered  }
0x9b: {  	s22 =	simm.s32 $0x1BFF;
	s21 =	sshll.u32 s6, $0x1;
	s3 =	sadd.s32 s4, s19  }
0x9c: {  	s7 =	simm.s32 $0x0;
	s20 =	sshll.u32 s5, $0x1;
	s5 =	sadd.s32 s21, s3  }
0x9d: {  	[timem:s7], [sflag:s22] =	dma.local [hbm:s5], s20  }
0x9e: {  	_ =	swait.ge [sflag:s22], s20  }
0x9f: {  	s4 =	ssub.s32 $0x0, s20;
	[sflag:s22] =	ssyncset.done $0x0  }
0xa0: {  	[sflag:s22] =	ssyncadd.s32 s4;
	_ =	sdelay $0x1  }
0xa1: {  	s23 =	simm.s32 $0x1B8B  }
0xa2: {  	_ =	swait.ge [sflag:s23], $0x1  }
0xa3: {  	[sflag:s23] =	ssyncset.done $0x0  }
0xa4: {  	s25 =	simm.s32 $0x1B8E;
	s24 =	sld [smem:$0x3FFE];
	[sflag:s23] =	ssyncadd.s32 $0xFFFFFFFF  }
0xa5: {  	s26 =	simm.s32 $execute0_lowered;
	[smem:$0x3FD2] =	sst s25  }
0xa6: {  	s5 =	sshll.u32 s26, $0x1;
	_ =	strace $0x80000049;
	[dreg:$0x1] =	wrdreg $0xFFFFFFFF  }
0xa7: {  	s28 =	simm.s32 $_size_execute0_lowered;
	s3 =	sadd.s32 s3, s5;
	[dreg:$0x0] =	wrdreg $0x0  }
0xa8: {  	s5 =	sshll.u32 s28, $0x1;
	[dreg:$0x2] =	wrdreg s3  }
0xa9: {  	[dreg:$0x3] =	wrdreg s5  }
0xaa: {  	[dreg:$0x4] =	wrdreg $0xC0  }
0xab: {  	_ =	task [dreg:s7], $0x5FFFF  }
0xac: {  	[dreg:$0x1] =	wrdreg $0xFFFFFFFF  }
0xad: {  	[dreg:$0x0] =	wrdreg $0x60  }
0xae: {  	[dreg:$0x2] =	wrdreg s24  }
0xaf: {  	[dreg:$0x3] =	wrdreg s2  }
0xb0: {  	[dreg:$0x4] =	wrdreg $0xBC000  }
0xb1: {  	[dreg:$0x5] =	wrdreg $0x9  }
0xb2: {  	_ =	task.clear_ibuf [dreg:s7], $0x6FFFF;
	_ =	strace $0x90000049  }
0xb3: {  	s29 =	simm.s32 $0x9;
	_ =	strace $0x8000004B  }
0xb4: {  	_ =	swait.ge [sflag:s29], $0x1  }
0xb5: {  	[sflag:s29] =	ssyncadd.s32 $0xFFFFFFFF  }
0xb6: {  	_ =	strace $0x9000004B  }
0xb7: {  	_ =	sfence  }
0xb8: {  	s30 =	sld [smem:$0x0];
	_ =	sdelay $0x2  }
0xb9: {  	s31 =	sshll.u32 s1, $0xD;
	s1 =	sshrl.u32 s1, $0x2  }
0xba: {  	s3 =	sand.u32 $0x4000, s31;
	s1 =	sadd.s32 s1, s30  }
0xbb: {  	s0 =	sor.u32 s3, s0;
	s1 =	sshll.u32 s1, $0x11  }
0xbc: {  	s0 =	sor.u32 s1, s0  }
0xbd: {  	s0 =	sadd.s32 $0x8F2B, s0  }
0xbe: {  	[sflag:s0] =	ssyncadd.remote.s32 $0x1  }
0xbf: {  	_ =	sfence.sel $0xFFFF  }
0xc0: {  	[dreg:$0x0] =	wrdreg $0xFFFFFFFF;
	(pc) =	sbr.abs _section_cstart, $3  }
0xc1: {  	[dreg:$0x1] =	wrdreg $0xFFFFFFFF  }
0xc2: {  	_ =	task.clear_ibuf [dreg:s7], $0x2FFFF;
	_ =	strace $0x9FFFFFFF  }
0xc3: {  	(tm) =	ssettm $0x7FFFFFFF  }
tec
execute0_lowered:
.L_overlay_start_1:
0x0: {  	(tag) =	ssettag $0x1  }
0x1: {  	s5 =	rddreg [dreg:$0x0]  }
0x2: {  	s6 =	rddreg [dreg:$0x1]  }
0x3: {  	s2 =	rddreg [dreg:$0x2]  }
0x4: {  	s0 =	rddreg [dreg:$0x3];
	s1 =	stileid.u32  }
0x5: {  	s4 =	srdreg.scid;
	s3 =	simm.s32 $0x0;
	s15 =	simm.s32 $0x3C00  }
0x6: {  	s16 =	simm.s32 $0x7C00;
	s17 =	simm.s32 $0x2800;
	s18 =	simm.s32 $0x1  }
0x7: {  	s20 =	simm.s32 $0x3B80;
	s21 =	simm.s32 $0x0;
	s7 =	smul.u32 $0x2800, s1  }
0x8: {  	s19 =	sand.u32 $0x1, s4;
	[smem:$0x7FF] =	sst s3;
	s11 =	smul.u32 $0x50000, s1  }
0x9: {  	s4 =	sadd.s32 $0xB200, s5;
	s31 =	sshll.u32 s1, $0x6;
	s8 =	smul.u32 $0x28000, s19  }
0xa: {  	_ =	strace $0x8000004A;
	s10 =	ssub.s32 $0x2, s19;
	v0 =	vmov s19;
	s19 =	simm.s32 $0x3B00  }
0xb: {  	s9 =	sshrl.u32 s7, $0x3;
	s29 =	sshrl.u32 s10, $0x1;
	s30 =	sshrl.u32 s11, $0x2  }
0xc: {  	s8 =	sadd.s32 s7, s8;
	s9 =	sadd.s32 s9, s5;
	s13 =	ssub.s32 s10, s29  }
0xd: {  	s14 =	sadd.s32 s30, s2;
	s12 =	sadd.s32 s8, s5;
	s5 =	sadd.s32 s6, s7  }
0xe: {  	s6 =	sor.u32 $0x1C02, s31;
	s7 =	sadd.s32 $0x6200, s9;
	s8 =	sadd.s32 $0x1200, s9  }
0xf: {  	s9 =	sadd.s32 $0x1480, s9;
	s11 =	smax.u32 s13, $0x1;
	s13 =	simm.s32 $0x2  }
0x10: {  	s10 =	sadd.s32 $0x5BA00, s12;
	s12 =	sshrl.u32 s14, $0x3;
	s14 =	simm.s32 $0x80  }
.LBB2_1:
0x11: {  	[spmem:s12], [sflag:s6] =	dma.local [hbm:s5], $0x2800  }
0x12: {  	_ =	swait.ge [sflag:s13], $0x2800  }
0x13: {  	[sflag:s13] =	ssyncset.done $0x0  }
0x14: {  	[sflag:s13] =	ssyncadd.s32 $0xFFFFD800  }
0x15: {  	[tilespmem:s3], [sflag:$0x2] =	stream.linear.gather [hbm4b:s7+s3], $0x2800, $0x38;
	[tilespmem:$0x1FC00] =	vst v63  }
0x16: {  	_ =	swait.ge [sflag:s13], $0x2800  }
0x17: {  	[sflag:s13] =	ssyncset.done $0x0  }
0x18: {  	s22 =	simm.s32 $0x0;
	[sflag:s13] =	ssyncadd.s32 $0xFFFFD800  }
0x19: {  	v2 =	vld [tilespmem:s22+$0x0]  }
0x1a: {  	v3 =	vld [tilespmem:s22+$0x10]  }
0x1b: {  	v5 =	vld [tilespmem:s22+$0x20]  }
0x1c: {  	v4 =	vld [tilespmem:s22+$0x30]  }
0x1d: {  	v1 =	vld [tilespmem:s22+$0x40]  }
0x1e: {  	v6 =	vshll.u32 v2, $0x1;
	v2 =	vld [tilespmem:s22+$0x50]  }
0x1f: {  	s23 =	simm.s32 $0x200;
	v7 =	vshll.u32 v3, $0x1;
	v3 =	vld [tilespmem:s22+$0x60];
	v6 =	vor.u32 v0, v6  }
.LBB2_2:
0x20: {  	s24 =	sshra.s32 s23, $0x2;
	p0 =	sne.s32 s23, $0x9E00;
	[tilespmem:s22+$0x0] =	vst v6;
	v6 =	vor.u32 v0, v7;
	v5 =	vshll.u32 v5, $0x1;
	v7 =	vld [tilespmem:s22+$0x70]  }
0x21: {  	v8 =	vld [tilespmem:s24+$0x0];
	[tilespmem:s22+$0x10] =	vst v6;
	v5 =	vor.u32 v0, v5;
	v4 =	vshll.u32 v4, $0x1  }
0x22: {  	v9 =	vld [tilespmem:s24+$0x10];
	[tilespmem:s22+$0x20] =	vst v5;
	v4 =	vor.u32 v0, v4;
	v1 =	vshll.u32 v1, $0x1  }
.Ltmp0:
0x23: {  	v5 =	vld [tilespmem:s24+$0x20];
	[tilespmem:s22+$0x30] =	vst v4;
	v1 =	vor.u32 v0, v1;
	v2 =	vshll.u32 v2, $0x1;
	(pc) =	sbr.rel @p0 .LBB2_2-.Ltmp0, $4  }
0x24: {  	v4 =	vld [tilespmem:s24+$0x30];
	[tilespmem:s22+$0x40] =	vst v1;
	v2 =	vor.u32 v0, v2;
	v3 =	vshll.u32 v3, $0x1  }
0x25: {  	v1 =	vld [tilespmem:s24+$0x40];
	[tilespmem:s22+$0x50] =	vst v2;
	v3 =	vor.u32 v0, v3;
	v6 =	vshll.u32 v7, $0x1  }
0x26: {  	v7 =	vshll.u32 v8, $0x1;
	v2 =	vld [tilespmem:s24+$0x50];
	[tilespmem:s22+$0x60] =	vst v3;
	v8 =	vor.u32 v0, v6  }
0x27: {  	s23 =	sadd.s32 $0x200, s23;
	v6 =	vor.u32 v0, v7;
	v7 =	vshll.u32 v9, $0x1;
	v3 =	vld [tilespmem:s24+$0x60];
	[tilespmem:s22+$0x70] =	vst v8;
	s22 =	smov.u32 s24  }
0x28: {  	[tilespmem:s22+$0x0] =	vst v6;
	v62 =	vor.u32 v0, v7;
	v5 =	vshll.u32 v5, $0x1;
	v63 =	vld [tilespmem:s22+$0x70]  }
0x29: {  	[tilespmem:s22+$0x10] =	vst v62;
	v5 =	vor.u32 v0, v5;
	v4 =	vshll.u32 v4, $0x1  }
0x2a: {  	[tilespmem:s22+$0x20] =	vst v5;
	v4 =	vor.u32 v0, v4;
	v1 =	vshll.u32 v1, $0x1  }
0x2b: {  	[tilespmem:s22+$0x30] =	vst v4;
	v1 =	vor.u32 v0, v1;
	v2 =	vshll.u32 v2, $0x1  }
0x2c: {  	[tilespmem:s22+$0x40] =	vst v1;
	v1 =	vor.u32 v0, v2;
	v2 =	vshll.u32 v3, $0x1  }
0x2d: {  	[tilespmem:s22+$0x50] =	vst v1;
	v1 =	vor.u32 v0, v2;
	v2 =	vshll.u32 v63, $0x1  }
0x2e: {  	[tilespmem:s22+$0x60] =	vst v1;
	v1 =	vor.u32 v0, v2  }
0x2f: {  	[tilespmem:s22+$0x70] =	vst v1  }
0x30: {  	s28 =	simm.s32 $0x0;
	[bflag:$0x0] =	sbarrier.arrive $0xFFFF  }
0x31: {  	[tilespmem:s15], [sflag:$0x1] =	stream.indirect.gather [hbm4b:s4+s14], $0x80, s28, s14, $0xb8;
	[tilespmem:$0x1FC00] =	vst v63  }
0x32: {  	_ = 	snop  }
0x33: {  	[tilespmem:s16], [sflag:$0x1] =	stream.indirect.gather [hbm4b:s4+s14], $0x80, s14, s14, $0xb8;
	[tilespmem:$0x1FC00] =	vst v63  }
0x34: {  	_ = 	snop  }
0x35: {  	[tilespmem:s17], [sflag:$0x2] =	stream.linear.gather [hbm4b:s8+s28], $0x1400, $0x38;
	[tilespmem:$0x1FC00] =	vst v63  }
0x36: {  	_ =	swait.ge [sflag:s13], $0x1400  }
0x37: {  	[sflag:s13] =	ssyncset.done $0x0  }
0x38: {  	[sflag:s13] =	ssyncadd.s32 $0xFFFFEC00  }
0x39: {  	_ =	swait.ge [sflag:s18], $0x4000  }
0x3a: {  	[sflag:s18] =	ssyncset.done $0x0  }
0x3b: {  	s29 =	simm.s32 $0x2800;
	[sflag:s18] =	ssyncadd.s32 $0xFFFFC000  }
0x3c: {  	[spmem:s2] =	stream.indirect.scatter.add.f32 [tilespmem:s15], [sflag:$0x2], $0x80, s29, s14, $0xb8;
	[tilespmem:$0x1FC00] =	vst v63  }
0x3d: {  	_ =	swait.ge [sflag:s13], $0x4000  }
0x3e: {  	[sflag:s13] =	ssyncset.done $0x0  }
0x3f: {  	s30 =	simm.s32 $0x100;
	[sflag:s13] =	ssyncadd.s32 $0xFFFFC000  }
0x40: {  	[tilespmem:s15], [sflag:$0x1] =	stream.indirect.gather [hbm4b:s4+s14], $0x80, s30, s14, $0xb8;
	[tilespmem:$0x1FC00] =	vst v63  }
0x41: {  	_ =	swait.ge [sflag:s18], $0x4000  }
0x42: {  	[sflag:s18] =	ssyncset.done $0x0  }
0x43: {  	s31 =	simm.s32 $0x2880;
	[sflag:s18] =	ssyncadd.s32 $0xFFFFC000  }
0x44: {  	[spmem:s2] =	stream.indirect.scatter.add.f32 [tilespmem:s16], [sflag:$0x2], $0x80, s31, s14, $0xb8;
	[tilespmem:$0x1FC00] =	vst v63  }
0x45: {  	_ =	swait.ge [sflag:s13], $0x4000  }
0x46: {  	[sflag:s13] =	ssyncset.done $0x0  }
0x47: {  	s23 =	simm.s32 $0x180;
	s22 =	simm.s32 $0x400;
	[sflag:s13] =	ssyncadd.s32 $0xFFFFC000  }
.LBB2_4:
0x48: {  	[tilespmem:s16], [sflag:$0x1] =	stream.indirect.gather [hbm4b:s4+s14], $0x80, s23, s14, $0xb8;
	[tilespmem:$0x1FC00] =	vst v63  }
0x49: {  	s23 =	smov.u32 s22  }
0x4a: {  	p0 =	sne.s32 s22, $0x4C00;
	s22 =	sadd.s32 $0x400, s22;
	_ =	swait.ge [sflag:s18], $0x4000  }
0x4b: {  	s23 =	sshra.s32 s23, $0x2;
	[sflag:s18] =	ssyncset.done $0x0  }
0x4c: {  	s24 =	sadd.s32 $0x2800, s23;
	[sflag:s18] =	ssyncadd.s32 $0xFFFFC000  }
0x4d: {  	[spmem:s2] =	stream.indirect.scatter.add.f32 [tilespmem:s15], [sflag:$0x2], $0x80, s24, s14, $0xb8;
	[tilespmem:$0x1FC00] =	vst v63  }
0x4e: {  	_ =	swait.ge [sflag:s13], $0x4000  }
0x4f: {  	[sflag:s13] =	ssyncset.done $0x0  }
0x50: {  	s24 =	sadd.s32 $0x100, s23;
	[sflag:s13] =	ssyncadd.s32 $0xFFFFC000  }
0x51: {  	[tilespmem:s15], [sflag:$0x1] =	stream.indirect.gather [hbm4b:s4+s14], $0x80, s24, s14, $0xb8;
	[tilespmem:$0x1FC00] =	vst v63  }
0x52: {  	_ =	swait.ge [sflag:s18], $0x4000  }
0x53: {  	[sflag:s18] =	ssyncset.done $0x0  }
.Ltmp1:
0x54: {  	s24 =	sadd.s32 $0x2880, s23;
	[sflag:s18] =	ssyncadd.s32 $0xFFFFC000;
	(pc) =	sbr.rel @p0 .LBB2_4-.Ltmp1, $4  }
0x55: {  	[spmem:s2] =	stream.indirect.scatter.add.f32 [tilespmem:s16], [sflag:$0x2], $0x80, s24, s14, $0xb8;
	[tilespmem:$0x1FC00] =	vst v63  }
0x56: {  	_ =	swait.ge [sflag:s13], $0x4000  }
0x57: {  	[sflag:s13] =	ssyncset.done $0x0  }
0x58: {  	s23 =	sadd.s32 $0x180, s23;
	[sflag:s13] =	ssyncadd.s32 $0xFFFFC000  }
0x59: {  	[tilespmem:s16], [sflag:$0x1] =	stream.indirect.gather [hbm4b:s4+s14], $0x80, s23, s14, $0xb8;
	[tilespmem:$0x1FC00] =	vst v63  }
0x5a: {  	s22 =	simm.s32 $0x0  }
0x5b: {  	[tilespmem:s17], [sflag:$0x2] =	stream.linear.gather [hbm4b:s9+s22], $0x1400, $0x38;
	[tilespmem:$0x1FC00] =	vst v63  }
0x5c: {  	_ =	swait.ge [sflag:s13], $0x1400  }
0x5d: {  	[sflag:s13] =	ssyncset.done $0x0  }
0x5e: {  	[sflag:s13] =	ssyncadd.s32 $0xFFFFEC00  }
0x5f: {  	_ =	swait.ge [sflag:s18], $0x4000  }
0x60: {  	[sflag:s18] =	ssyncset.done $0x0  }
0x61: {  	s29 =	simm.s32 $0x2800;
	[sflag:s18] =	ssyncadd.s32 $0xFFFFC000  }
0x62: {  	[spmem:s2] =	stream.indirect.scatter.add.f32 [tilespmem:s15], [sflag:$0x2], $0x80, s29, s14, $0xb8;
	[tilespmem:$0x1FC00] =	vst v63  }
0x63: {  	_ =	swait.ge [sflag:s13], $0x4000  }
0x64: {  	[sflag:s13] =	ssyncset.done $0x0  }
0x65: {  	s30 =	simm.s32 $0x1500;
	[sflag:s13] =	ssyncadd.s32 $0xFFFFC000  }
0x66: {  	[tilespmem:s15], [sflag:$0x1] =	stream.indirect.gather [hbm4b:s4+s14], $0x80, s30, s14, $0xb8;
	[tilespmem:$0x1FC00] =	vst v63  }
0x67: {  	_ =	swait.ge [sflag:s18], $0x4000  }
0x68: {  	[sflag:s18] =	ssyncset.done $0x0  }
0x69: {  	s31 =	simm.s32 $0x2880;
	[sflag:s18] =	ssyncadd.s32 $0xFFFFC000  }
0x6a: {  	[spmem:s2] =	stream.indirect.scatter.add.f32 [tilespmem:s16], [sflag:$0x2], $0x80, s31, s14, $0xb8;
	[tilespmem:$0x1FC00] =	vst v63  }
0x6b: {  	_ =	swait.ge [sflag:s13], $0x4000  }
0x6c: {  	[sflag:s13] =	ssyncset.done $0x0  }
0x6d: {  	s23 =	simm.s32 $0x1580;
	s22 =	simm.s32 $0x400;
	[sflag:s13] =	ssyncadd.s32 $0xFFFFC000  }
.LBB2_6:
0x6e: {  	[tilespmem:s16], [sflag:$0x1] =	stream.indirect.gather [hbm4b:s4+s14], $0x80, s23, s14, $0xb8;
	[tilespmem:$0x1FC00] =	vst v63  }
0x6f: {  	s23 =	smov.u32 s22  }
0x70: {  	p0 =	sne.s32 s22, $0x4800;
	s22 =	sadd.s32 $0x400, s22;
	_ =	swait.ge [sflag:s18], $0x4000  }
0x71: {  	s23 =	sshra.s32 s23, $0x2;
	[sflag:s18] =	ssyncset.done $0x0  }
0x72: {  	s24 =	sadd.s32 $0x2800, s23;
	[sflag:s18] =	ssyncadd.s32 $0xFFFFC000  }
0x73: {  	[spmem:s2] =	stream.indirect.scatter.add.f32 [tilespmem:s15], [sflag:$0x2], $0x80, s24, s14, $0xb8;
	[tilespmem:$0x1FC00] =	vst v63  }
0x74: {  	_ =	swait.ge [sflag:s13], $0x4000  }
0x75: {  	[sflag:s13] =	ssyncset.done $0x0  }
0x76: {  	s24 =	sadd.s32 $0x1500, s23;
	[sflag:s13] =	ssyncadd.s32 $0xFFFFC000  }
0x77: {  	[tilespmem:s15], [sflag:$0x1] =	stream.indirect.gather [hbm4b:s4+s14], $0x80, s24, s14, $0xb8;
	[tilespmem:$0x1FC00] =	vst v63  }
0x78: {  	_ =	swait.ge [sflag:s18], $0x4000  }
0x79: {  	[sflag:s18] =	ssyncset.done $0x0  }
.Ltmp2:
0x7a: {  	s24 =	sadd.s32 $0x2880, s23;
	[sflag:s18] =	ssyncadd.s32 $0xFFFFC000;
	(pc) =	sbr.rel @p0 .LBB2_6-.Ltmp2, $4  }
0x7b: {  	[spmem:s2] =	stream.indirect.scatter.add.f32 [tilespmem:s16], [sflag:$0x2], $0x80, s24, s14, $0xb8;
	[tilespmem:$0x1FC00] =	vst v63  }
0x7c: {  	_ =	swait.ge [sflag:s13], $0x4000  }
0x7d: {  	[sflag:s13] =	ssyncset.done $0x0  }
0x7e: {  	s23 =	sadd.s32 $0x1580, s23;
	[sflag:s13] =	ssyncadd.s32 $0xFFFFC000  }
0x7f: {  	[tilespmem:s16], [sflag:$0x1] =	stream.indirect.gather [hbm4b:s4+s14], $0x80, s23, s14, $0xb8;
	[tilespmem:$0x1FC00] =	vst v63  }
0x80: {  	_ =	swait.ge [sflag:s18], $0x4000  }
0x81: {  	[sflag:s18] =	ssyncset.done $0x0  }
0x82: {  	[sflag:s18] =	ssyncadd.s32 $0xFFFFC000  }
0x83: {  	[spmem:s2] =	stream.indirect.scatter.add.f32 [tilespmem:s15], [sflag:$0x2], $0x80, s19, s14, $0xb8;
	[tilespmem:$0x1FC00] =	vst v63  }
0x84: {  	_ =	swait.ge [sflag:s13], $0x4000  }
0x85: {  	[sflag:s13] =	ssyncset.done $0x0  }
0x86: {  	[sflag:s13] =	ssyncadd.s32 $0xFFFFC000  }
0x87: {  	_ =	swait.ge [sflag:s18], $0x4000  }
0x88: {  	[sflag:s18] =	ssyncset.done $0x0  }
0x89: {  	[sflag:s18] =	ssyncadd.s32 $0xFFFFC000  }
0x8a: {  	[spmem:s2] =	stream.indirect.scatter.add.f32 [tilespmem:s16], [sflag:$0x2], $0x80, s20, s14, $0xb8;
	[tilespmem:$0x1FC00] =	vst v63  }
0x8b: {  	_ =	swait.ge [sflag:s13], $0x4000  }
0x8c: {  	s21 =	sadd.s32 $0x1, s21;
	[sflag:s13] =	ssyncset.done $0x0  }
0x8d: {  	p0 =	sne.s32 s21, s11;
	[sflag:s13] =	ssyncadd.s32 $0xFFFFC000  }
.Ltmp3:
0x8e: {  	[bflag:$0x0] =	sbarrier.arrive $0xFFFF;
	(pc) =	sbr.rel @p0 .LBB2_1-.Ltmp3, $4  }
0x8f: {  	[hbm:s10], [sflag:s6] =	dma.local [spmem:s12], $0x2800  }
0x90: {  	_ =	swait.ge [sflag:s13], $0x2800  }
0x91: {  	[sflag:s13] =	ssyncset.done $0x0  }
0x92: {  	[sflag:s13] =	ssyncadd.s32 $0xFFFFD800  }
0x93: {  	_ =	sfence.sel $0x180000  }
0x94: {  	[bflag:$0x0] =	sbarrier.arrive $0xFFFF  }
0x95: {  	p0 =	sne.s32 s1, $0x0;
	_ =	strace $0x9000004A  }
0x96: {  	s0 =	sadd.s32 @!p0 $0x100000, s0;
	[bflag:$0x2] =	sbarrier.arrive $0xFFFF  }
0x97: {  	[sflag:s0] =	ssyncadd.tile.s32 @!p0 $0x1;
	_ =	shalt  }
.Lfunc_end2:
_tile_overlayer_lowered:
.L_overlay_start_2:
0x98: {  	(tag) =	ssettag $0x2  }
0x99: {  	s0 =	rddreg [dreg:$0x0];
	s2 =	stileid.u32  }
0x9a: {  	s1 =	rddreg [dreg:$0x1];
	p0 =	sne.s32 s2, $0x0  }
0x9b: {  	s3 =	rddreg [dreg:$0x2];
	[bflag:$0x3] =	sbarrier.arrive $0xFFFF;
	s2 =	simm.s32 @!p0 $0x1C02  }
0x9c: {  	[timem:s3], [sflag:s2] =	dma.local @!p0 [hbm:s0], s1  }
0x9d: {  	s0 =	simm.s32 @!p0 $0x2  }
0x9e: {  	_ =	swait.ge @!p0 [sflag:s0], s1  }
0x9f: {  	s1 =	ssub.s32 @!p0 $0x0, s1;
	[sflag:s0] =	ssyncset.done @!p0 $0x0  }
0xa0: {  	[sflag:s0] =	ssyncadd.s32 @!p0 s1  }
0xa1: {  	[bflag:$0x3] =	sbarrier.arrive $0xFFFF  }
0xa2: {  	_ =	shalt  }

// kernel: kernel.8.cloned.1.call-start
scs
__scs_entry_jumppad:
0x0: {  	(pc) =	sbr.rel $0x88, $3  }
0x1: {  	(tag) =	ssettag $0x0;
	lr =	simm.s32 $0x1  }
0x2: {  	[smem:$0x3F99] =	sst lr;
	_ =	strace $0xD0000000  }
0x3: {  	_ = 	snop  }
0x4: {  	_ = 	snop  }
0x5: {  	_ = 	snop  }
0x6: {  	_ = 	snop  }
0x7: {  	_ = 	snop  }
__scs_overlays_trampoline_lowered:
0x8: {  	[smem:$0x3FA8] =	sst s0  }
0x9: {  	[smem:$0x3FA9] =	sst s1  }
0xa: {  	[smem:$0x3FAA] =	sst s2  }
0xb: {  	[smem:$0x3FAB] =	sst s3  }
0xc: {  	[smem:$0x3FAC] =	sst s4  }
0xd: {  	[smem:$0x3FAD] =	sst s5  }
0xe: {  	[smem:$0x3FAE] =	sst s6  }
0xf: {  	[smem:$0x3FAF] =	sst s7  }
0x10: {  	[smem:$0x3FB0] =	sst s8  }
0x11: {  	[smem:$0x3FB1] =	sst s9;
	s0 =	simm.s32 @!p0 $0x0  }
0x12: {  	s1 =	sld [smem:$0x3F97];
	s0 =	simm.s32 @p0 $0x1  }
0x13: {  	[smem:$0x3FB2] =	sst s0;
	s0 =	simm.s32 @!p1 $0x0  }
0x14: {  	s2 =	sld [smem:$0x3F96];
	s0 =	simm.s32 @p1 $0x1  }
0x15: {  	[smem:$0x3FB3] =	sst s0;
	s0 =	simm.s32 @!p2 $0x0  }
0x16: {  	s3 =	sld [smem:$0x3FDB];
	s0 =	simm.s32 @p2 $0x1  }
0x17: {  	s4 =	simm.s32 $0x1BF5;
	[smem:$0x3FB5] =	sst s0  }
0x18: {  	s0 =	sld [smem:$0x3F98];
	_ =	swait.ge [sflag:s4], $0x0  }
0x19: {  	s7 =	sld [smem:$0x3F99]  }
0x1a: {  	s8 =	sadd.s32 $0xFFFFE003, lr  }
0x1b: {  	s9 =	sadd.s32 $0xFFFFFEF7, lr;
	s5 =	simm.s32 $0xFFFFFFFF;
	p2 =	slt.u32 s8, $0xFFFFF086  }
0x1c: {  	p1 =	slt.u32 s9, $0xF7A;
	s5 =	simm.s32 @!p2 $0x0  }
0x1d: {  	s5 =	simm.s32 @p1 $0x1;
	p0 =	seq.s32 s7, s2  }
0x1e: {  	s7 =	smul.u32 @!p0 $0xF7A, s2;
	p2 =	seq.s32 @!p0 s5, $0x0  }
0x1f: {  	s9 =	smul.u32 $0xF7A, s1;
	s8 =	simm.s32 @!p0 $0x1BF5;
	p2 =	por !p2, p0  }
0x20: {  	[sflag:s8] =	ssyncset.s32 @!p0 $0xFFFFF086;
	s6 =	sadd.s32 @!p0 s3, s7;
	s7 =	simm.s32 @!p0 $0x108  }
0x21: {  	s3 =	sadd.s32 s3, s9;
	s6 =	sadd.s32 @!p0 $0x88, s6;
	s7 =	simm.s32 @p2 $0x1082  }
0x22: {  	[simem:s7], [sflag:s8] =	dma.local @!p0 [hbm:s6], $0xF7A  }
0x23: {  	s9 =	sor.u32 $0xD0000000, s2;
	s6 =	simm.s32 $0x108;
	_ =	swait.ge @!p0 [sflag:s8], $0x0  }
0x24: {  	s3 =	sadd.s32 $0x88, s3;
	s6 =	simm.s32 @!p1 $0x1082;
	[sflag:s4] =	ssyncset.s32 $0xFFFFF086  }
0x25: {  	[simem:s6], [sflag:s4] =	dma.local [hbm:s3], $0xF7A  }
0x26: {  	[smem:$0x3F99] =	sst s1;
	(tag) =	ssettag s2;
	_ =	strace s9  }
0x27: {  	s1 =	sld [smem:$0x3FA9]  }
0x28: {  	s2 =	sld [smem:$0x3FAA]  }
0x29: {  	s4 =	sld [smem:$0x3FAC]  }
0x2a: {  	p0 =	seq.s32 s5, $0x0;
	s5 =	sld [smem:$0x3FAD]  }
0x2b: {  	s6 =	sld [smem:$0x3FAE]  }
0x2c: {  	s7 =	sld [smem:$0x3FAF]  }
0x2d: {  	s3 =	simm.s32 $0x108;
	s8 =	sld [smem:$0x3FB0]  }
0x2e: {  	s3 =	simm.s32 @!p0 $0x1082;
	s9 =	sld [smem:$0x3FB1]  }
0x2f: {  	lr =	sadd.s32 s0, s3;
	s0 =	sld [smem:$0x3FA8]  }
0x30: {  	s3 =	sld [smem:$0x3FAB]  }
0x31: {  	[smem:$0x3FB4] =	sst s10  }
0x32: {  	s10 =	sld [smem:$0x3FB2];
	_ =	sdelay $0x3  }
0x33: {  	p0 =	seq.s32 s10, $0x1;
	s10 =	sld [smem:$0x3FB4];
	_ =	sdelay $0x3  }
0x34: {  	[smem:$0x3FB4] =	sst s10  }
0x35: {  	s10 =	sld [smem:$0x3FB3];
	_ =	sdelay $0x3  }
0x36: {  	p1 =	seq.s32 s10, $0x1;
	s10 =	sld [smem:$0x3FB4];
	_ =	sdelay $0x3  }
0x37: {  	[smem:$0x3FB4] =	sst s10  }
0x38: {  	s10 =	sld [smem:$0x3FB5]  }
0x39: {  	_ = 	snop;
	(pc) =	sbr.ind lr, $3  }
0x3a: {  	_ = 	snop  }
0x3b: {  	_ = 	snop  }
0x3c: {  	p2 =	seq.s32 s10, $0x1;
	s10 =	sld [smem:$0x3FB4]  }
0x3d: {  	_ =	shalt  }
0x3e: {  	_ =	shalt  }
0x3f: {  	_ =	shalt  }
0x40: {  	_ =	shalt  }
0x41: {  	_ =	shalt  }
0x42: {  	_ =	shalt  }
0x43: {  	_ =	shalt  }
0x44: {  	_ =	shalt  }
0x45: {  	_ =	shalt  }
0x46: {  	_ =	shalt  }
0x47: {  	_ =	shalt  }
0x48: {  	_ =	shalt  }
0x49: {  	_ =	shalt  }
0x4a: {  	_ =	shalt  }
0x4b: {  	_ =	shalt  }
0x4c: {  	_ =	shalt  }
0x4d: {  	_ =	shalt  }
0x4e: {  	_ =	shalt  }
0x4f: {  	_ =	shalt  }
0x50: {  	_ =	shalt  }
0x51: {  	_ =	shalt  }
0x52: {  	_ =	shalt  }
0x53: {  	_ =	shalt  }
0x54: {  	_ =	shalt  }
0x55: {  	_ =	shalt  }
0x56: {  	_ =	shalt  }
0x57: {  	_ =	shalt  }
0x58: {  	_ =	shalt  }
0x59: {  	_ =	shalt  }
0x5a: {  	_ =	shalt  }
0x5b: {  	_ =	shalt  }
0x5c: {  	_ =	shalt  }
0x5d: {  	_ =	shalt  }
0x5e: {  	_ =	shalt  }
0x5f: {  	_ =	shalt  }
0x60: {  	_ =	shalt  }
0x61: {  	_ =	shalt  }
0x62: {  	_ =	shalt  }
0x63: {  	_ =	shalt  }
0x64: {  	_ =	shalt  }
0x65: {  	_ =	shalt  }
0x66: {  	_ =	shalt  }
0x67: {  	_ =	shalt  }
0x68: {  	_ =	shalt  }
0x69: {  	_ =	shalt  }
0x6a: {  	_ =	shalt  }
0x6b: {  	_ =	shalt  }
0x6c: {  	_ =	shalt  }
0x6d: {  	_ =	shalt  }
0x6e: {  	_ =	shalt  }
0x6f: {  	_ =	shalt  }
0x70: {  	_ =	shalt  }
0x71: {  	_ =	shalt  }
0x72: {  	_ =	shalt  }
0x73: {  	_ =	shalt  }
0x74: {  	_ =	shalt  }
0x75: {  	_ =	shalt  }
0x76: {  	_ =	shalt  }
0x77: {  	_ =	shalt  }
0x78: {  	_ =	shalt  }
0x79: {  	_ =	shalt  }
0x7a: {  	_ =	shalt  }
0x7b: {  	_ =	shalt  }
0x7c: {  	_ =	shalt  }
0x7d: {  	_ =	shalt  }
0x7e: {  	_ =	shalt  }
0x7f: {  	_ =	shalt  }
0x80: {  	_ =	shalt  }
0x81: {  	_ =	shalt  }
0x82: {  	_ =	shalt  }
0x83: {  	_ =	shalt  }
0x84: {  	_ =	shalt  }
0x85: {  	_ =	shalt  }
0x86: {  	_ =	shalt  }
0x87: {  	_ =	shalt  }
.Lfunc_end0:
.L_simem_size_0:
called_computation_lowered:
.L_overlay_start_0:
0x88: {  	s2 =	sld [smem:$0x3FD9]  }
0x89: {  	s3 =	sld [smem:$0x3FFE];
	_ =	sdelay $0x1  }
0x8a: {  	s1 =	srdreg.scid  }
0x8b: {  	s0 =	sand.u32 $0x1, s1  }
0x8c: {  	s17 =	sshll.u32 s0, $0xA;
	s2 =	sadd.s32 s3, s2  }
0x8d: {  	s2 =	sadd.s32 s2, s17  }
0x8e: {  	[smem:$0x3FC0] =	sst s2  }
0x8f: {  	_ = 	snop  }
0x90: {  	s2 =	sld [smem:$0x3FD0];
	(tm) =	ssettm $0x1  }
0x91: {  	s18 =	sld [smem:$0x3FFB];
	_ =	sdelay $0x3  }
0x92: {  	_ =	strace s18  }
0x93: {  	s3 =	sld [smem:$0x3FFC];
	_ =	sdelay $0x3  }
0x94: {  	_ =	strace s3  }
0x95: {  	s3 =	sld [smem:$0x3FFD];
	_ =	sdelay $0x3  }
0x96: {  	_ =	strace s3  }
0x97: {  	_ =	strace $0x8FFFFFFF  }
0x98: {  	s19 =	sld [smem:$0x3FDB];
	_ =	sdelay $0x1  }
0x99: {  	s4 =	simm.s32 $_scs_section_size  }
0x9a: {  	s5 =	simm.s32 $_size__tile_overlayer_lowered;
	s6 =	simm.s32 $_tile_overlayer_lowered  }
0x9b: {  	s22 =	simm.s32 $0x1BFF;
	s21 =	sshll.u32 s6, $0x1;
	s3 =	sadd.s32 s4, s19  }
0x9c: {  	s7 =	simm.s32 $0x0;
	s20 =	sshll.u32 s5, $0x1;
	s5 =	sadd.s32 s21, s3  }
0x9d: {  	[timem:s7], [sflag:s22] =	dma.local [hbm:s5], s20  }
0x9e: {  	_ =	swait.ge [sflag:s22], s20  }
0x9f: {  	s4 =	ssub.s32 $0x0, s20;
	[sflag:s22] =	ssyncset.done $0x0  }
0xa0: {  	[sflag:s22] =	ssyncadd.s32 s4;
	_ =	sdelay $0x1  }
0xa1: {  	s23 =	simm.s32 $0x1B8B  }
0xa2: {  	_ =	swait.ge [sflag:s23], $0x1  }
0xa3: {  	[sflag:s23] =	ssyncset.done $0x0  }
0xa4: {  	s25 =	simm.s32 $0x1B8E;
	s24 =	sld [smem:$0x3FFE];
	[sflag:s23] =	ssyncadd.s32 $0xFFFFFFFF  }
0xa5: {  	s26 =	simm.s32 $execute0_lowered;
	[smem:$0x3FD2] =	sst s25  }
0xa6: {  	s5 =	sshll.u32 s26, $0x1;
	_ =	strace $0x80000046;
	[dreg:$0x1] =	wrdreg $0xFFFFFFFF  }
0xa7: {  	s28 =	simm.s32 $_size_execute0_lowered;
	s3 =	sadd.s32 s3, s5;
	[dreg:$0x0] =	wrdreg $0x0  }
0xa8: {  	s5 =	sshll.u32 s28, $0x1;
	[dreg:$0x2] =	wrdreg s3  }
0xa9: {  	[dreg:$0x3] =	wrdreg s5  }
0xaa: {  	[dreg:$0x4] =	wrdreg $0xC0  }
0xab: {  	_ =	task [dreg:s7], $0x5FFFF  }
0xac: {  	[dreg:$0x1] =	wrdreg $0xFFFFFFFF  }
0xad: {  	[dreg:$0x0] =	wrdreg $0x60  }
0xae: {  	[dreg:$0x2] =	wrdreg s24  }
0xaf: {  	[dreg:$0x3] =	wrdreg s2  }
0xb0: {  	[dreg:$0x4] =	wrdreg $0xBC000  }
0xb1: {  	[dreg:$0x5] =	wrdreg $0x9  }
0xb2: {  	_ =	task.clear_ibuf [dreg:s7], $0x6FFFF;
	_ =	strace $0x90000046  }
0xb3: {  	s29 =	simm.s32 $0x9;
	_ =	strace $0x80000048  }
0xb4: {  	_ =	swait.ge [sflag:s29], $0x1  }
0xb5: {  	[sflag:s29] =	ssyncadd.s32 $0xFFFFFFFF  }
0xb6: {  	_ =	strace $0x90000048  }
0xb7: {  	_ =	sfence  }
0xb8: {  	s30 =	sld [smem:$0x0];
	_ =	sdelay $0x2  }
0xb9: {  	s31 =	sshll.u32 s1, $0xD;
	s1 =	sshrl.u32 s1, $0x2  }
0xba: {  	s3 =	sand.u32 $0x4000, s31;
	s1 =	sadd.s32 s1, s30  }
0xbb: {  	s0 =	sor.u32 s3, s0;
	s1 =	sshll.u32 s1, $0x11  }
0xbc: {  	s0 =	sor.u32 s1, s0  }
0xbd: {  	s0 =	sadd.s32 $0x8F2B, s0  }
0xbe: {  	[sflag:s0] =	ssyncadd.remote.s32 $0x1  }
0xbf: {  	_ =	sfence.sel $0xFFFF  }
0xc0: {  	[dreg:$0x0] =	wrdreg $0xFFFFFFFF;
	(pc) =	sbr.abs _section_cstart, $3  }
0xc1: {  	[dreg:$0x1] =	wrdreg $0xFFFFFFFF  }
0xc2: {  	_ =	task.clear_ibuf [dreg:s7], $0x2FFFF;
	_ =	strace $0x9FFFFFFF  }
0xc3: {  	(tm) =	ssettm $0x7FFFFFFF  }
tec
execute0_lowered:
.L_overlay_start_1:
0x0: {  	(tag) =	ssettag $0x1  }
0x1: {  	s6 =	rddreg [dreg:$0x0]  }
0x2: {  	s7 =	rddreg [dreg:$0x1]  }
0x3: {  	s2 =	rddreg [dreg:$0x2]  }
0x4: {  	s0 =	rddreg [dreg:$0x3];
	s1 =	stileid.u32  }
0x5: {  	s4 =	srdreg.scid;
	s3 =	simm.s32 $0x0;
	s18 =	simm.s32 $0x2800  }
0x6: {  	s19 =	simm.s32 $0x80;
	s20 =	simm.s32 $0x7C00;
	s21 =	simm.s32 $0x1  }
0x7: {  	s23 =	simm.s32 $0x3B80;
	s24 =	simm.s32 $0x0;
	s8 =	smul.u32 $0x2800, s1  }
0x8: {  	s22 =	sand.u32 $0x1, s4;
	s5 =	smul.u32 $0x280, s1;
	[smem:$0x7FF] =	sst s3  }
0x9: {  	s4 =	sadd.s32 $0xB200, s6;
	s12 =	sadd.s32 $0x1200, s6;
	s13 =	smul.u32 $0x50000, s1  }
0xa: {  	s29 =	sshll.u32 s1, $0x6;
	s9 =	smul.u32 $0x2800, s22;
	_ =	strace $0x80000047  }
0xb: {  	s26 =	ssub.s32 $0x2, s22;
	s15 =	smul.u32 $0x1400, s22;
	v0 =	vmov s22;
	s22 =	simm.s32 $0x3B00  }
0xc: {  	s10 =	sshrl.u32 s8, $0x3;
	s28 =	sshrl.u32 s26, $0x1;
	s13 =	sshrl.u32 s13, $0x2  }
0xd: {  	s11 =	sadd.s32 s10, s6;
	s5 =	sadd.s32 s5, s9;
	s16 =	ssub.s32 s26, s28  }
0xe: {  	s17 =	sadd.s32 s13, s2;
	s30 =	sadd.s32 s15, s8;
	s9 =	sshll.u32 s5, $0x4  }
0xf: {  	s5 =	sadd.s32 $0x5B200, s6;
	s31 =	sshrl.u32 s30, $0x3;
	s15 =	sshrl.u32 s17, $0x3  }
0x10: {  	s17 =	simm.s32 $0x3C00;
	s14 =	sadd.s32 s9, s6;
	s6 =	sadd.s32 s7, s8  }
0x11: {  	s7 =	sor.u32 $0x1C02, s29;
	s8 =	sadd.s32 $0x6200, s11;
	s9 =	sadd.s32 s12, s10  }
0x12: {  	s10 =	sadd.s32 s12, s31;
	s11 =	sadd.s32 $0xABA00, s14;
	s12 =	sadd.s32 $0x280, s9  }
0x13: {  	s13 =	sadd.s32 $0x5BA00, s14;
	s14 =	smax.u32 s16, $0x1;
	s16 =	simm.s32 $0x2  }
.LBB2_1:
0x14: {  	[spmem:s15], [sflag:s7] =	dma.local [hbm:s6], $0x2800  }
0x15: {  	_ =	swait.ge [sflag:s16], $0x2800  }
0x16: {  	[sflag:s16] =	ssyncset.done $0x0  }
0x17: {  	[sflag:s16] =	ssyncadd.s32 $0xFFFFD800  }
0x18: {  	[tilespmem:s3], [sflag:$0x2] =	stream.linear.gather [hbm4b:s8+s3], $0x2800, $0x38;
	[tilespmem:$0x1FC00] =	vst v63  }
0x19: {  	_ =	swait.ge [sflag:s16], $0x2800  }
0x1a: {  	[sflag:s16] =	ssyncset.done $0x0  }
0x1b: {  	s25 =	simm.s32 $0x0;
	[sflag:s16] =	ssyncadd.s32 $0xFFFFD800  }
0x1c: {  	v2 =	vld [tilespmem:s25+$0x0]  }
0x1d: {  	v3 =	vld [tilespmem:s25+$0x10]  }
0x1e: {  	v5 =	vld [tilespmem:s25+$0x20]  }
0x1f: {  	v4 =	vld [tilespmem:s25+$0x30]  }
0x20: {  	v1 =	vld [tilespmem:s25+$0x40]  }
0x21: {  	v6 =	vshll.u32 v2, $0x1;
	v2 =	vld [tilespmem:s25+$0x50]  }
0x22: {  	s26 =	simm.s32 $0x200;
	v7 =	vshll.u32 v3, $0x1;
	v3 =	vld [tilespmem:s25+$0x60];
	v6 =	vor.u32 v0, v6  }
.LBB2_2:
0x23: {  	s28 =	sshra.s32 s26, $0x2;
	p0 =	sne.s32 s26, $0x9E00;
	[tilespmem:s25+$0x0] =	vst v6;
	v6 =	vor.u32 v0, v7;
	v5 =	vshll.u32 v5, $0x1;
	v7 =	vld [tilespmem:s25+$0x70]  }
0x24: {  	v8 =	vld [tilespmem:s28+$0x0];
	[tilespmem:s25+$0x10] =	vst v6;
	v5 =	vor.u32 v0, v5;
	v4 =	vshll.u32 v4, $0x1  }
0x25: {  	v9 =	vld [tilespmem:s28+$0x10];
	[tilespmem:s25+$0x20] =	vst v5;
	v4 =	vor.u32 v0, v4;
	v1 =	vshll.u32 v1, $0x1  }
.Ltmp0:
0x26: {  	v5 =	vld [tilespmem:s28+$0x20];
	[tilespmem:s25+$0x30] =	vst v4;
	v1 =	vor.u32 v0, v1;
	v2 =	vshll.u32 v2, $0x1;
	(pc) =	sbr.rel @p0 .LBB2_2-.Ltmp0, $4  }
0x27: {  	v4 =	vld [tilespmem:s28+$0x30];
	[tilespmem:s25+$0x40] =	vst v1;
	v2 =	vor.u32 v0, v2;
	v3 =	vshll.u32 v3, $0x1  }
0x28: {  	v1 =	vld [tilespmem:s28+$0x40];
	[tilespmem:s25+$0x50] =	vst v2;
	v3 =	vor.u32 v0, v3;
	v6 =	vshll.u32 v7, $0x1  }
0x29: {  	v7 =	vshll.u32 v8, $0x1;
	v2 =	vld [tilespmem:s28+$0x50];
	[tilespmem:s25+$0x60] =	vst v3;
	v8 =	vor.u32 v0, v6  }
0x2a: {  	s26 =	sadd.s32 $0x200, s26;
	v6 =	vor.u32 v0, v7;
	v7 =	vshll.u32 v9, $0x1;
	v3 =	vld [tilespmem:s28+$0x60];
	[tilespmem:s25+$0x70] =	vst v8;
	s25 =	smov.u32 s28  }
0x2b: {  	[tilespmem:s25+$0x0] =	vst v6;
	v62 =	vor.u32 v0, v7;
	v5 =	vshll.u32 v5, $0x1;
	v63 =	vld [tilespmem:s25+$0x70]  }
0x2c: {  	[tilespmem:s25+$0x10] =	vst v62;
	v5 =	vor.u32 v0, v5;
	v4 =	vshll.u32 v4, $0x1  }
0x2d: {  	[tilespmem:s25+$0x20] =	vst v5;
	v4 =	vor.u32 v0, v4;
	v1 =	vshll.u32 v1, $0x1  }
0x2e: {  	[tilespmem:s25+$0x30] =	vst v4;
	v1 =	vor.u32 v0, v1;
	v2 =	vshll.u32 v2, $0x1  }
0x2f: {  	[tilespmem:s25+$0x40] =	vst v1;
	v1 =	vor.u32 v0, v2;
	v2 =	vshll.u32 v3, $0x1  }
0x30: {  	[tilespmem:s25+$0x50] =	vst v1;
	v1 =	vor.u32 v0, v2;
	v2 =	vshll.u32 v63, $0x1  }
0x31: {  	[tilespmem:s25+$0x60] =	vst v1;
	v1 =	vor.u32 v0, v2  }
0x32: {  	s30 =	simm.s32 $0x0;
	[tilespmem:s25+$0x70] =	vst v1  }
0x33: {  	[tilespmem:s17], [sflag:$0x2] =	stream.linear.gather [hbm4b:s5+s30], $0x4000, $0x38;
	[tilespmem:$0x1FC00] =	vst v63  }
0x34: {  	_ =	swait.ge [sflag:s16], $0x4000  }
0x35: {  	[sflag:s16] =	ssyncset.done $0x0  }
0x36: {  	[sflag:s16] =	ssyncadd.s32 $0xFFFFC000  }
0x37: {  	[tilespmem:s18], [sflag:$0x2] =	stream.linear.gather [hbm4b:s10+s30], $0x1400, $0x38;
	[tilespmem:$0x1FC00] =	vst v63  }
0x38: {  	_ =	swait.ge [sflag:s16], $0x1400  }
0x39: {  	[sflag:s16] =	ssyncset.done $0x0  }
0x3a: {  	[sflag:s16] =	ssyncadd.s32 $0xFFFFEC00  }
0x3b: {  	s31 =	simm.s32 $0x2800;
	[bflag:$0x0] =	sbarrier.arrive $0xFFFF  }
0x3c: {  	[spmem:s2] =	stream.indirect.scatter.add.f32 [tilespmem:s17], [sflag:$0x2], $0x80, s31, s19, $0xb8;
	[tilespmem:$0x1FC00] =	vst v63  }
0x3d: {  	s25 =	simm.s32 $0x200;
	_ =	swait.ge [sflag:s16], $0x4000  }
.LBB2_4:
0x3e: {  	s26 =	sshra.s32 s25, $0x2;
	[sflag:s16] =	ssyncset.done $0x0;
	p0 =	sne.s32 s25, $0x4E00  }
.Ltmp1:
0x3f: {  	s26 =	sadd.s32 $0x2800, s26;
	[sflag:s16] =	ssyncadd.s32 $0xFFFFC000;
	(pc) =	sbr.rel @p0 .LBB2_4-.Ltmp1, $3  }
0x40: {  	[spmem:s2] =	stream.indirect.scatter.add.f32 [tilespmem:s17], [sflag:$0x2], $0x80, s26, s19, $0xb8;
	[tilespmem:$0x1FC00] =	vst v63  }
0x41: {  	s25 =	sadd.s32 $0x200, s25;
	_ =	sdelay $0x1  }
0x42: {  	_ =	swait.ge [sflag:s16], $0x4000  }
0x43: {  	[sflag:s16] =	ssyncset.done $0x0  }
0x44: {  	[sflag:s16] =	ssyncadd.s32 $0xFFFFC000  }
0x45: {  	[bflag:$0x0] =	sbarrier.arrive $0xFFFF  }
0x46: {  	[hbm:s11], [sflag:s7] =	dma.local [spmem:s15], $0x2800  }
0x47: {  	_ =	swait.ge [sflag:s16], $0x2800  }
0x48: {  	[sflag:s16] =	ssyncset.done $0x0  }
0x49: {  	[sflag:s16] =	ssyncadd.s32 $0xFFFFD800  }
0x4a: {  	[spmem:s15], [sflag:s7] =	dma.local [hbm:s6], $0x2800  }
0x4b: {  	_ =	swait.ge [sflag:s16], $0x2800  }
0x4c: {  	[sflag:s16] =	ssyncset.done $0x0  }
0x4d: {  	[sflag:s16] =	ssyncadd.s32 $0xFFFFD800  }
0x4e: {  	s25 =	simm.s32 $0x0;
	[bflag:$0x0] =	sbarrier.arrive $0xFFFF  }
0x4f: {  	[tilespmem:s17], [sflag:$0x1] =	stream.indirect.gather [hbm4b:s4+s19], $0x80, s25, s19, $0xb8;
	[tilespmem:$0x1FC00] =	vst v63  }
0x50: {  	_ = 	snop  }
0x51: {  	[tilespmem:s20], [sflag:$0x1] =	stream.indirect.gather [hbm4b:s4+s19], $0x80, s19, s19, $0xb8;
	[tilespmem:$0x1FC00] =	vst v63  }
0x52: {  	_ = 	snop  }
0x53: {  	[tilespmem:s18], [sflag:$0x2] =	stream.linear.gather [hbm4b:s9+s25], $0x1400, $0x38;
	[tilespmem:$0x1FC00] =	vst v63  }
0x54: {  	_ =	swait.ge [sflag:s16], $0x1400  }
0x55: {  	[sflag:s16] =	ssyncset.done $0x0  }
0x56: {  	[sflag:s16] =	ssyncadd.s32 $0xFFFFEC00  }
0x57: {  	_ =	swait.ge [sflag:s21], $0x4000  }
0x58: {  	[sflag:s21] =	ssyncset.done $0x0  }
0x59: {  	s29 =	simm.s32 $0x2800;
	[sflag:s21] =	ssyncadd.s32 $0xFFFFC000  }
0x5a: {  	[spmem:s2] =	stream.indirect.scatter.add.f32 [tilespmem:s17], [sflag:$0x2], $0x80, s29, s19, $0xb8;
	[tilespmem:$0x1FC00] =	vst v63  }
0x5b: {  	_ =	swait.ge [sflag:s16], $0x4000  }
0x5c: {  	[sflag:s16] =	ssyncset.done $0x0  }
0x5d: {  	s30 =	simm.s32 $0x100;
	[sflag:s16] =	ssyncadd.s32 $0xFFFFC000  }
0x5e: {  	[tilespmem:s17], [sflag:$0x1] =	stream.indirect.gather [hbm4b:s4+s19], $0x80, s30, s19, $0xb8;
	[tilespmem:$0x1FC00] =	vst v63  }
0x5f: {  	_ =	swait.ge [sflag:s21], $0x4000  }
0x60: {  	[sflag:s21] =	ssyncset.done $0x0  }
0x61: {  	s31 =	simm.s32 $0x2880;
	[sflag:s21] =	ssyncadd.s32 $0xFFFFC000  }
0x62: {  	[spmem:s2] =	stream.indirect.scatter.add.f32 [tilespmem:s20], [sflag:$0x2], $0x80, s31, s19, $0xb8;
	[tilespmem:$0x1FC00] =	vst v63  }
0x63: {  	_ =	swait.ge [sflag:s16], $0x4000  }
0x64: {  	[sflag:s16] =	ssyncset.done $0x0  }
0x65: {  	s26 =	simm.s32 $0x180;
	s25 =	simm.s32 $0x400;
	[sflag:s16] =	ssyncadd.s32 $0xFFFFC000  }
.LBB2_6:
0x66: {  	[tilespmem:s20], [sflag:$0x1] =	stream.indirect.gather [hbm4b:s4+s19], $0x80, s26, s19, $0xb8;
	[tilespmem:$0x1FC00] =	vst v63  }
0x67: {  	s26 =	smov.u32 s25  }
0x68: {  	p0 =	sne.s32 s25, $0x4C00;
	s25 =	sadd.s32 $0x400, s25;
	_ =	swait.ge [sflag:s21], $0x4000  }
0x69: {  	s26 =	sshra.s32 s26, $0x2;
	[sflag:s21] =	ssyncset.done $0x0  }
0x6a: {  	s28 =	sadd.s32 $0x2800, s26;
	[sflag:s21] =	ssyncadd.s32 $0xFFFFC000  }
0x6b: {  	[spmem:s2] =	stream.indirect.scatter.add.f32 [tilespmem:s17], [sflag:$0x2], $0x80, s28, s19, $0xb8;
	[tilespmem:$0x1FC00] =	vst v63  }
0x6c: {  	_ =	swait.ge [sflag:s16], $0x4000  }
0x6d: {  	[sflag:s16] =	ssyncset.done $0x0  }
0x6e: {  	s28 =	sadd.s32 $0x100, s26;
	[sflag:s16] =	ssyncadd.s32 $0xFFFFC000  }
0x6f: {  	[tilespmem:s17], [sflag:$0x1] =	stream.indirect.gather [hbm4b:s4+s19], $0x80, s28, s19, $0xb8;
	[tilespmem:$0x1FC00] =	vst v63  }
0x70: {  	_ =	swait.ge [sflag:s21], $0x4000  }
0x71: {  	[sflag:s21] =	ssyncset.done $0x0  }
.Ltmp2:
0x72: {  	s28 =	sadd.s32 $0x2880, s26;
	[sflag:s21] =	ssyncadd.s32 $0xFFFFC000;
	(pc) =	sbr.rel @p0 .LBB2_6-.Ltmp2, $4  }
0x73: {  	[spmem:s2] =	stream.indirect.scatter.add.f32 [tilespmem:s20], [sflag:$0x2], $0x80, s28, s19, $0xb8;
	[tilespmem:$0x1FC00] =	vst v63  }
0x74: {  	_ =	swait.ge [sflag:s16], $0x4000  }
0x75: {  	[sflag:s16] =	ssyncset.done $0x0  }
0x76: {  	s26 =	sadd.s32 $0x180, s26;
	[sflag:s16] =	ssyncadd.s32 $0xFFFFC000  }
0x77: {  	[tilespmem:s20], [sflag:$0x1] =	stream.indirect.gather [hbm4b:s4+s19], $0x80, s26, s19, $0xb8;
	[tilespmem:$0x1FC00] =	vst v63  }
0x78: {  	s25 =	simm.s32 $0x0  }
0x79: {  	[tilespmem:s18], [sflag:$0x2] =	stream.linear.gather [hbm4b:s12+s25], $0x1400, $0x38;
	[tilespmem:$0x1FC00] =	vst v63  }
0x7a: {  	_ =	swait.ge [sflag:s16], $0x1400  }
0x7b: {  	[sflag:s16] =	ssyncset.done $0x0  }
0x7c: {  	[sflag:s16] =	ssyncadd.s32 $0xFFFFEC00  }
0x7d: {  	_ =	swait.ge [sflag:s21], $0x4000  }
0x7e: {  	[sflag:s21] =	ssyncset.done $0x0  }
0x7f: {  	s29 =	simm.s32 $0x2800;
	[sflag:s21] =	ssyncadd.s32 $0xFFFFC000  }
0x80: {  	[spmem:s2] =	stream.indirect.scatter.add.f32 [tilespmem:s17], [sflag:$0x2], $0x80, s29, s19, $0xb8;
	[tilespmem:$0x1FC00] =	vst v63  }
0x81: {  	_ =	swait.ge [sflag:s16], $0x4000  }
0x82: {  	[sflag:s16] =	ssyncset.done $0x0  }
0x83: {  	s30 =	simm.s32 $0x1500;
	[sflag:s16] =	ssyncadd.s32 $0xFFFFC000  }
0x84: {  	[tilespmem:s17], [sflag:$0x1] =	stream.indirect.gather [hbm4b:s4+s19], $0x80, s30, s19, $0xb8;
	[tilespmem:$0x1FC00] =	vst v63  }
0x85: {  	_ =	swait.ge [sflag:s21], $0x4000  }
0x86: {  	[sflag:s21] =	ssyncset.done $0x0  }
0x87: {  	s31 =	simm.s32 $0x2880;
	[sflag:s21] =	ssyncadd.s32 $0xFFFFC000  }
0x88: {  	[spmem:s2] =	stream.indirect.scatter.add.f32 [tilespmem:s20], [sflag:$0x2], $0x80, s31, s19, $0xb8;
	[tilespmem:$0x1FC00] =	vst v63  }
0x89: {  	_ =	swait.ge [sflag:s16], $0x4000  }
0x8a: {  	[sflag:s16] =	ssyncset.done $0x0  }
0x8b: {  	s26 =	simm.s32 $0x1580;
	s25 =	simm.s32 $0x400;
	[sflag:s16] =	ssyncadd.s32 $0xFFFFC000  }
.LBB2_8:
0x8c: {  	[tilespmem:s20], [sflag:$0x1] =	stream.indirect.gather [hbm4b:s4+s19], $0x80, s26, s19, $0xb8;
	[tilespmem:$0x1FC00] =	vst v63  }
0x8d: {  	s26 =	smov.u32 s25  }
0x8e: {  	p0 =	sne.s32 s25, $0x4800;
	s25 =	sadd.s32 $0x400, s25;
	_ =	swait.ge [sflag:s21], $0x4000  }
0x8f: {  	s26 =	sshra.s32 s26, $0x2;
	[sflag:s21] =	ssyncset.done $0x0  }
0x90: {  	s28 =	sadd.s32 $0x2800, s26;
	[sflag:s21] =	ssyncadd.s32 $0xFFFFC000  }
0x91: {  	[spmem:s2] =	stream.indirect.scatter.add.f32 [tilespmem:s17], [sflag:$0x2], $0x80, s28, s19, $0xb8;
	[tilespmem:$0x1FC00] =	vst v63  }
0x92: {  	_ =	swait.ge [sflag:s16], $0x4000  }
0x93: {  	[sflag:s16] =	ssyncset.done $0x0  }
0x94: {  	s28 =	sadd.s32 $0x1500, s26;
	[sflag:s16] =	ssyncadd.s32 $0xFFFFC000  }
0x95: {  	[tilespmem:s17], [sflag:$0x1] =	stream.indirect.gather [hbm4b:s4+s19], $0x80, s28, s19, $0xb8;
	[tilespmem:$0x1FC00] =	vst v63  }
0x96: {  	_ =	swait.ge [sflag:s21], $0x4000  }
0x97: {  	[sflag:s21] =	ssyncset.done $0x0  }
.Ltmp3:
0x98: {  	s28 =	sadd.s32 $0x2880, s26;
	[sflag:s21] =	ssyncadd.s32 $0xFFFFC000;
	(pc) =	sbr.rel @p0 .LBB2_8-.Ltmp3, $4  }
0x99: {  	[spmem:s2] =	stream.indirect.scatter.add.f32 [tilespmem:s20], [sflag:$0x2], $0x80, s28, s19, $0xb8;
	[tilespmem:$0x1FC00] =	vst v63  }
0x9a: {  	_ =	swait.ge [sflag:s16], $0x4000  }
0x9b: {  	[sflag:s16] =	ssyncset.done $0x0  }
0x9c: {  	s26 =	sadd.s32 $0x1580, s26;
	[sflag:s16] =	ssyncadd.s32 $0xFFFFC000  }
0x9d: {  	[tilespmem:s20], [sflag:$0x1] =	stream.indirect.gather [hbm4b:s4+s19], $0x80, s26, s19, $0xb8;
	[tilespmem:$0x1FC00] =	vst v63  }
0x9e: {  	_ =	swait.ge [sflag:s21], $0x4000  }
0x9f: {  	[sflag:s21] =	ssyncset.done $0x0  }
0xa0: {  	[sflag:s21] =	ssyncadd.s32 $0xFFFFC000  }
0xa1: {  	[spmem:s2] =	stream.indirect.scatter.add.f32 [tilespmem:s17], [sflag:$0x2], $0x80, s22, s19, $0xb8;
	[tilespmem:$0x1FC00] =	vst v63  }
0xa2: {  	_ =	swait.ge [sflag:s16], $0x4000  }
0xa3: {  	[sflag:s16] =	ssyncset.done $0x0  }
0xa4: {  	[sflag:s16] =	ssyncadd.s32 $0xFFFFC000  }
0xa5: {  	_ =	swait.ge [sflag:s21], $0x4000  }
0xa6: {  	[sflag:s21] =	ssyncset.done $0x0  }
0xa7: {  	[sflag:s21] =	ssyncadd.s32 $0xFFFFC000  }
0xa8: {  	[spmem:s2] =	stream.indirect.scatter.add.f32 [tilespmem:s20], [sflag:$0x2], $0x80, s23, s19, $0xb8;
	[tilespmem:$0x1FC00] =	vst v63  }
0xa9: {  	_ =	swait.ge [sflag:s16], $0x4000  }
0xaa: {  	s24 =	sadd.s32 $0x1, s24;
	[sflag:s16] =	ssyncset.done $0x0  }
0xab: {  	p0 =	sne.s32 s24, s14;
	[sflag:s16] =	ssyncadd.s32 $0xFFFFC000  }
.Ltmp4:
0xac: {  	[bflag:$0x0] =	sbarrier.arrive $0xFFFF;
	(pc) =	sbr.rel @p0 .LBB2_1-.Ltmp4, $4  }
0xad: {  	[hbm:s13], [sflag:s7] =	dma.local [spmem:s15], $0x2800  }
0xae: {  	_ =	swait.ge [sflag:s16], $0x2800  }
0xaf: {  	[sflag:s16] =	ssyncset.done $0x0  }
0xb0: {  	[sflag:s16] =	ssyncadd.s32 $0xFFFFD800  }
0xb1: {  	_ =	sfence.sel $0x180000  }
0xb2: {  	[bflag:$0x0] =	sbarrier.arrive $0xFFFF  }
0xb3: {  	p0 =	sne.s32 s1, $0x0;
	_ =	strace $0x90000047  }
0xb4: {  	s0 =	sadd.s32 @!p0 $0x100000, s0;
	[bflag:$0x2] =	sbarrier.arrive $0xFFFF  }
0xb5: {  	[sflag:s0] =	ssyncadd.tile.s32 @!p0 $0x1;
	_ =	shalt  }
.Lfunc_end2:
_tile_overlayer_lowered:
.L_overlay_start_2:
0xb6: {  	(tag) =	ssettag $0x2  }
0xb7: {  	s0 =	rddreg [dreg:$0x0];
	s2 =	stileid.u32  }
0xb8: {  	s1 =	rddreg [dreg:$0x1];
	p0 =	sne.s32 s2, $0x0  }
0xb9: {  	s3 =	rddreg [dreg:$0x2];
	[bflag:$0x3] =	sbarrier.arrive $0xFFFF;
	s2 =	simm.s32 @!p0 $0x1C02  }
0xba: {  	[timem:s3], [sflag:s2] =	dma.local @!p0 [hbm:s0], s1  }
0xbb: {  	s0 =	simm.s32 @!p0 $0x2  }
0xbc: {  	_ =	swait.ge @!p0 [sflag:s0], s1  }
0xbd: {  	s1 =	ssub.s32 @!p0 $0x0, s1;
	[sflag:s0] =	ssyncset.done @!p0 $0x0  }
0xbe: {  	[sflag:s0] =	ssyncadd.s32 @!p0 s1  }
0xbf: {  	[bflag:$0x3] =	sbarrier.arrive $0xFFFF  }
0xc0: {  	_ =	shalt  }

</sc_bundles>
